<compile_context>
chip_gen: v7x
topology: tpu7x:2x2x1
jax: 0.10.2.dev20260603
libtpu: 0.0.44.dev20260713+nightly
codegen_flags: <defaults>
</compile_context>

<pallas_src>
import jax
import jax.numpy as jnp
from jax import lax
from jax.experimental import pallas as pl
from jax.experimental.pallas import tpu as pltpu
from jax.experimental.pallas import tpu_sc as plsc

N = 2048
H = 1024
FF = 4096
E = 8
K = 2
BLK = 256
NB = (N * K) // BLK + E
PPAD = NB * BLK
EPS = 1e-12

NC, NS, L = 2, 16, 16
NW = NC * NS
CHUNK = N // NW


def _router_body(x_ref, wr_ref, br_ref, i1_ref, i2_ref, w0_ref, w1_ref,
                 r0_ref, r1_ref, be_ref, bs_ref):
    x = x_ref[...]
    wr = wr_ref[...]
    logits = lax.dot_general(x, wr, (((1,), (1,)), ((), ())),
                             preferred_element_type=jnp.float32)
    logits = logits + br_ref[...]
    big = jnp.float32(-1e30)
    iota_e = lax.broadcasted_iota(jnp.int32, (N, E), 1)
    m1 = jnp.max(logits, axis=1, keepdims=True)
    i1 = jnp.min(jnp.where(logits == m1, iota_e, E), axis=1, keepdims=True)
    oh0 = iota_e == i1
    logits2 = jnp.where(oh0, big, logits)
    m2 = jnp.max(logits2, axis=1, keepdims=True)
    i2 = jnp.min(jnp.where(logits2 == m2, iota_e, E), axis=1, keepdims=True)
    oh1 = iota_e == i2
    s = jnp.exp(m2 - m1)
    w0 = 1.0 / (1.0 + s)
    w1 = s / (1.0 + s)

    oh0f = oh0.astype(jnp.float32)
    oh1f = oh1.astype(jnp.float32)
    ohs = oh0f + oh1f
    it_r = lax.broadcasted_iota(jnp.int32, (N, N), 0)
    it_c = lax.broadcasted_iota(jnp.int32, (N, N), 1)
    ls = (it_c < it_r).astype(jnp.float32)
    cum = lax.dot_general(ls, ohs, (((1,), (0,)), ((), ())),
                          preferred_element_type=jnp.float32)
    r0 = jnp.sum(cum * oh0f, axis=1, keepdims=True)
    r1 = jnp.sum(cum * oh1f, axis=1, keepdims=True)

    counts = jnp.sum(ohs, axis=0, keepdims=True)
    blocks = jnp.ceil(counts * (1.0 / BLK))
    l8 = (lax.broadcasted_iota(jnp.int32, (E, E), 0)
          <= lax.broadcasted_iota(jnp.int32, (E, E), 1)).astype(jnp.float32)
    cumb = lax.dot_general(blocks, l8, (((1,), (0,)), ((), ())),
                           preferred_element_type=jnp.float32)
    block_start = ((cumb - blocks) * BLK).astype(jnp.int32)
    nb_used = cumb[:, E - 1:E].astype(jnp.int32)
    cumb_i = cumb.astype(jnp.int32)
    iota_b = lax.broadcasted_iota(jnp.int32, (E, 128), 1)
    be = jnp.sum((jnp.broadcast_to(cumb_i.reshape(E, 1), (E, 128)) <= iota_b)
                 .astype(jnp.int32), axis=0, keepdims=True)
    be = jnp.minimum(be, E - 1)

    counts_col = lax.dot_general(ohs, jnp.ones((N, 8), jnp.float32),
                                 (((0,), (0,)), ((), ())),
                                 preferred_element_type=jnp.float32)
    bbr = jnp.ceil(counts_col * (1.0 / BLK))
    rowi = lax.broadcasted_iota(jnp.int32, (E, E), 0)
    coli = lax.broadcasted_iota(jnp.int32, (E, E), 1)
    cand = jnp.where((rowi > coli) & (bbr[:, :E] > 0), rowi, E)
    nxt = jnp.min(cand, axis=0, keepdims=True)
    iota18 = lax.broadcasted_iota(jnp.int32, (1, E), 1)
    nxt = jnp.where(nxt == E, iota18, nxt)

    i1_ref[...] = i1
    i2_ref[...] = i2
    w0_ref[...] = w0
    w1_ref[...] = w1
    r0_ref[...] = r0.astype(jnp.int32)
    r1_ref[...] = r1.astype(jnp.int32)
    be_ref[...] = be
    bs_ref[0:1, 0:E] = block_start
    bs_ref[0:1, E:E + 1] = nb_used
    bs_ref[0:1, E + 1:16] = jnp.zeros((1, 16 - E - 1), jnp.int32)
    bs_ref[0:1, 16:16 + E] = nxt
    bs_ref[0:1, 16 + E:128] = jnp.zeros((1, 128 - 16 - E), jnp.int32)


def _router(flat, Wr, br):
    outs = (
        jax.ShapeDtypeStruct((N, 1), jnp.int32),
        jax.ShapeDtypeStruct((N, 1), jnp.int32),
        jax.ShapeDtypeStruct((N, 1), jnp.float32),
        jax.ShapeDtypeStruct((N, 1), jnp.float32),
        jax.ShapeDtypeStruct((N, 1), jnp.int32),
        jax.ShapeDtypeStruct((N, 1), jnp.int32),
        jax.ShapeDtypeStruct((1, 128), jnp.int32),
        jax.ShapeDtypeStruct((1, 128), jnp.int32),
    )
    return pl.pallas_call(
        _router_body,
        out_shape=outs,
        compiler_params=pltpu.CompilerParams(
            vmem_limit_bytes=100 * 1024 * 1024),
    )(flat, Wr, br.reshape(1, E))


def _dispatch_body(flat, e1, e2, r0, r1, bsm, xs, pos0, pos1,
                   rows_v, e_v, r_v, p0_v, p1_v, bs_v, sem, sem_rows):
    wid = lax.axis_index("s") * NC + lax.axis_index("c")
    base = wid * CHUNK
    d_rows = pltpu.async_copy(flat.at[pl.ds(base, CHUNK)], rows_v, sem_rows)
    pltpu.sync_copy(bsm.at[pl.ds(0, 8)], bs_v)
    pltpu.sync_copy(e1.at[pl.ds(base, CHUNK)], e_v)
    pltpu.sync_copy(r0.at[pl.ds(base, CHUNK)], r_v)
    for i in range(CHUNK // L):
        ev = e_v[pl.ds(i * L, L)]
        rv = r_v[pl.ds(i * L, L)]
        p0_v[pl.ds(i * L, L)] = plsc.load_gather(bs_v, [ev]) + rv
    pltpu.sync_copy(e2.at[pl.ds(base, CHUNK)], e_v)
    pltpu.sync_copy(r1.at[pl.ds(base, CHUNK)], r_v)
    for i in range(CHUNK // L):
        ev = e_v[pl.ds(i * L, L)]
        rv = r_v[pl.ds(i * L, L)]
        p1_v[pl.ds(i * L, L)] = plsc.load_gather(bs_v, [ev]) + rv
    pltpu.sync_copy(p0_v, pos0.at[pl.ds(base, CHUNK)])
    pltpu.sync_copy(p1_v, pos1.at[pl.ds(base, CHUNK)])
    d_rows.wait()
    d0 = pltpu.async_copy(rows_v, xs.at[p0_v], sem)
    d1 = pltpu.async_copy(rows_v, xs.at[p1_v], sem)
    d0.wait()
    d1.wait()


def _dispatch(flat, e1, e2, r0, r1, bsm):
    mesh = plsc.VectorSubcoreMesh(core_axis_name="c", subcore_axis_name="s",
                                  num_cores=NC, num_subcores=NS)
    outs = (
        jax.ShapeDtypeStruct((PPAD, H), jnp.float32),
        jax.ShapeDtypeStruct((N,), jnp.int32),
        jax.ShapeDtypeStruct((N,), jnp.int32),
    )
    scratch = [
        pltpu.VMEM((CHUNK, H), jnp.float32),
        pltpu.VMEM((CHUNK,), jnp.int32),
        pltpu.VMEM((CHUNK,), jnp.int32),
        pltpu.VMEM((CHUNK,), jnp.int32),
        pltpu.VMEM((CHUNK,), jnp.int32),
        pltpu.VMEM((8,), jnp.int32),
        pltpu.SemaphoreType.DMA,
        pltpu.SemaphoreType.DMA,
    ]
    return pl.kernel(_dispatch_body, out_type=outs, mesh=mesh,
                     scratch_types=scratch,
                     compiler_params=pltpu.CompilerParams(
                         needs_layout_passes=False),
                     )(flat, e1, e2, r0, r1, bsm)


FH = FF // 2


def _gelu(h):
    return 0.5 * h * (1.0 + lax.erf(h * jnp.float32(0.7071067811865476)))


def _ffn_body(be_ref, bs_ref, x_ref, w1_ref, b1_ref, w2_ref, b2_ref, out_ref,
              st1, st2, w1bf, w2bf, sem1, sem2):
    i = pl.program_id(0)
    nb = bs_ref[0, E]
    cur = be_ref[0, i]
    prev = be_ref[0, jnp.maximum(i - 1, 0)]
    is_first = jnp.logical_or(i == 0, cur != prev)

    @pl.when(jnp.logical_and(i < nb, is_first))
    def _():
        @pl.when(i == 0)
        def _():
            pltpu.make_async_copy(w1_ref.at[cur], st1, sem1).start()
            pltpu.make_async_copy(w2_ref.at[cur], st2, sem2).start()

        pltpu.make_async_copy(w1_ref.at[cur], st1, sem1).wait()
        w1bf[...] = st1[...].astype(jnp.bfloat16)
        pltpu.make_async_copy(w2_ref.at[cur], st2, sem2).wait()
        w2bf[...] = st2[...].astype(jnp.bfloat16)
        nxt = bs_ref[0, 16 + cur]

        @pl.when(nxt != cur)
        def _():
            pltpu.make_async_copy(w1_ref.at[nxt], st1, sem1).start()
            pltpu.make_async_copy(w2_ref.at[nxt], st2, sem2).start()

    @pl.when(i < nb)
    def _():
        x = x_ref[...].astype(jnp.bfloat16)
        nt = (((1,), (1,)), ((), ()))
        h1 = lax.dot_general(x, w1bf.at[pl.ds(0, FH)][...], nt,
                             preferred_element_type=jnp.float32)
        h1 = _gelu(h1 + b1_ref[cur, 0, :FH].reshape(1, FH)
                   ).astype(jnp.bfloat16)
        y = lax.dot_general(h1, w2bf.at[:, pl.ds(0, FH)][...], nt,
                            preferred_element_type=jnp.float32)
        h2 = lax.dot_general(x, w1bf.at[pl.ds(FH, FH)][...], nt,
                             preferred_element_type=jnp.float32)
        h2 = _gelu(h2 + b1_ref[cur, 0, FH:].reshape(1, FH)
                   ).astype(jnp.bfloat16)
        y = y + lax.dot_general(h2, w2bf.at[:, pl.ds(FH, FH)][...], nt,
                                preferred_element_type=jnp.float32)
        out_ref[...] = y + b2_ref[cur, 0].reshape(1, H)


def _ffn(xs, W1, b1, W2, b2, be, bsm):
    return pl.pallas_call(
        _ffn_body,
        grid=(NB,),
        in_specs=[
            pl.BlockSpec(memory_space=pltpu.MemorySpace.SMEM),
            pl.BlockSpec(memory_space=pltpu.MemorySpace.SMEM),
            pl.BlockSpec((BLK, H), lambda i: (i, 0)),
            pl.BlockSpec(memory_space=pltpu.MemorySpace.HBM),
            pl.BlockSpec((E, 1, FF), lambda i: (0, 0, 0)),
            pl.BlockSpec(memory_space=pltpu.MemorySpace.HBM),
            pl.BlockSpec((E, 1, H), lambda i: (0, 0, 0)),
        ],
        out_specs=pl.BlockSpec((BLK, H), lambda i: (i, 0)),
        scratch_shapes=[
            pltpu.VMEM((FF, H), jnp.float32),
            pltpu.VMEM((H, FF), jnp.float32),
            pltpu.VMEM((FF, H), jnp.bfloat16),
            pltpu.VMEM((H, FF), jnp.bfloat16),
            pltpu.SemaphoreType.DMA,
            pltpu.SemaphoreType.DMA,
        ],
        out_shape=jax.ShapeDtypeStruct((PPAD, H), jnp.float32),
        compiler_params=pltpu.CompilerParams(
            dimension_semantics=("arbitrary",),
            vmem_limit_bytes=128 * 1024 * 1024),
    )(be.reshape(1, 128), bsm.reshape(1, 128), xs, W1,
      b1.reshape(E, 1, FF), W2, b2.reshape(E, 1, H))


HC = CHUNK // 2


def _combine_body(ys, pos0, pos1, y0g, y1g, rows_a, rows_b, p0_v, p1_v,
                  sem_a, sem_b):
    wid = lax.axis_index("s") * NC + lax.axis_index("c")
    base = wid * CHUNK
    pltpu.sync_copy(pos0.at[pl.ds(base, CHUNK)], p0_v)
    pltpu.sync_copy(pos1.at[pl.ds(base, CHUNK)], p1_v)
    bufs = (rows_a, rows_b)
    sems = (sem_a, sem_b)
    plan = [(p0_v, y0g, 0), (p0_v, y0g, HC), (p1_v, y1g, 0), (p1_v, y1g, HC)]
    pend = [None, None]
    for p, (pv, dst, off) in enumerate(plan):
        b = p % 2
        if pend[b] is not None:
            d_prev, dst_prev, off_prev = pend[b]
            d_prev.wait()
            pltpu.sync_copy(bufs[b], dst_prev.at[pl.ds(base + off_prev, HC)])
        d = pltpu.async_copy(ys.at[pv.at[pl.ds(off, HC)]], bufs[b], sems[b])
        pend[b] = (d, dst, off)
    for b in range(2):
        d_prev, dst_prev, off_prev = pend[b]
        d_prev.wait()
        pltpu.sync_copy(bufs[b], dst_prev.at[pl.ds(base + off_prev, HC)])


def _combine(ys, pos0, pos1):
    mesh = plsc.VectorSubcoreMesh(core_axis_name="c", subcore_axis_name="s",
                                  num_cores=NC, num_subcores=NS)
    outs = (
        jax.ShapeDtypeStruct((N, H), jnp.float32),
        jax.ShapeDtypeStruct((N, H), jnp.float32),
    )
    scratch = [
        pltpu.VMEM((HC, H), jnp.float32),
        pltpu.VMEM((HC, H), jnp.float32),
        pltpu.VMEM((CHUNK,), jnp.int32),
        pltpu.VMEM((CHUNK,), jnp.int32),
        pltpu.SemaphoreType.DMA,
        pltpu.SemaphoreType.DMA,
    ]
    return pl.kernel(_combine_body, out_type=outs, mesh=mesh,
                     scratch_types=scratch)(ys, pos0, pos1)


def _ln_body(x_ref, y0_ref, y1_ref, w0_ref, w1_ref, lnw_ref, lnb_ref, o_ref):
    res = (x_ref[...] + w0_ref[...] * y0_ref[...]
           + w1_ref[...] * y1_ref[...])
    mu = jnp.mean(res, axis=1, keepdims=True)
    d = res - mu
    var = jnp.mean(d * d, axis=1, keepdims=True)
    o_ref[...] = d / jnp.sqrt(var + EPS) * lnw_ref[...] + lnb_ref[...]


def _layernorm(flat, y0g, y1g, w0, w1, ln_w, ln_b):
    nblk = 8
    tb = N // nblk
    return pl.pallas_call(
        _ln_body,
        grid=(nblk,),
        in_specs=[
            pl.BlockSpec((tb, H), lambda i: (i, 0)),
            pl.BlockSpec((tb, H), lambda i: (i, 0)),
            pl.BlockSpec((tb, H), lambda i: (i, 0)),
            pl.BlockSpec((tb, 1), lambda i: (i, 0)),
            pl.BlockSpec((tb, 1), lambda i: (i, 0)),
            pl.BlockSpec((1, H), lambda i: (0, 0)),
            pl.BlockSpec((1, H), lambda i: (0, 0)),
        ],
        out_specs=pl.BlockSpec((tb, H), lambda i: (i, 0)),
        out_shape=jax.ShapeDtypeStruct((N, H), jnp.float32),
    )(flat, y0g, y1g, w0, w1, ln_w.reshape(1, H), ln_b.reshape(1, H))


def kernel(hidden_states, Wr, br, W1, b1, W2, b2, ln_w, ln_b):
    bsz, seqlen, h = hidden_states.shape
    flat = hidden_states.reshape(N, H)
    i1, i2, w0, w1, r0, r1, be, bsm = _router(flat, Wr, br)
    xs, pos0, pos1 = _dispatch(flat, i1.reshape(N), i2.reshape(N),
                               r0.reshape(N), r1.reshape(N),
                               bsm.reshape(128))
    ys = _ffn(xs, W1, b1, W2, b2, be.reshape(128), bsm.reshape(128))
    y0g, y1g = _combine(ys, pos0, pos1)
    out = _layernorm(flat, y0g, y1g, w0, w1, ln_w, ln_b)
    return out.reshape(bsz, seqlen, h)

# --- scband reference (transcript-rebuilt; emitter-appended) ---
"""Pipeline reference for scband-mo-effn-2808908611853 (READ-ONLY COPY).

The authoritative reference and input builder live on the scoring server;
editing this copy changes nothing except your own understanding.
"""

import jax, jax.numpy as jnp
import numpy as np

B, S, H = 1, 2048, 1024
FF = 4096
E = 8
TOPK = 2
EPS = 1e-12


def setup_inputs(seed: int = 0) -> dict:
    key = jax.random.key(seed)
    ks = jax.random.split(key, 8)
    hidden_states = jax.random.normal(ks[0], (B, S, H), dtype=jnp.float32)
    # Router weights: torch code zero-inits these; we use small random values so
    # routing is non-trivial (zero logits make top-k degenerate).
    Wr = jax.random.normal(ks[1], (E, H), dtype=jnp.float32) * 0.02
    br = jnp.zeros((E,), dtype=jnp.float32)
    W1 = jax.random.normal(ks[2], (E, FF, H), dtype=jnp.float32) * 0.02
    b1 = jnp.zeros((E, FF), dtype=jnp.float32)
    W2 = jax.random.normal(ks[3], (E, H, FF), dtype=jnp.float32) * 0.02
    b2 = jnp.zeros((E, H), dtype=jnp.float32)
    ln_w = jnp.ones((H,), dtype=jnp.float32)
    ln_b = jnp.zeros((H,), dtype=jnp.float32)
    return {
        "hidden_states": hidden_states,
        "Wr": Wr, "br": br,
        "W1": W1, "b1": b1,
        "W2": W2, "b2": b2,
        "ln_w": ln_w, "ln_b": ln_b,
    }


def reference(hidden_states, Wr, br, W1, b1, W2, b2, ln_w, ln_b):
    bsz, seqlen, h = hidden_states.shape
    flat = hidden_states.reshape(-1, h)
    # router
    logits = flat @ Wr.T + br
    topk_vals, topk_idx = jax.lax.top_k(logits, TOPK)
    topk_w = jax.nn.softmax(topk_vals, axis=-1)
    out = jnp.zeros_like(flat)
    for e in range(E):
        mask_e = (topk_idx == e).astype(topk_w.dtype)
        w_e = jnp.sum(topk_w * mask_e, axis=-1, keepdims=True)
        y = jax.nn.gelu(flat @ W1[e].T + b1[e], approximate=False)
        y = y @ W2[e].T + b2[e]
        # dropout_p = 0.0 (eval) -> identity
        out = out + y * w_e
    res = out.reshape(bsz, seqlen, h) + hidden_states
    mu = res.mean(-1, keepdims=True)
    var = ((res - mu) ** 2).mean(-1, keepdims=True)
    normed = (res - mu) / jnp.sqrt(var + EPS) * ln_w + ln_b
    return normed

if __name__ == "__main__":
    import jax
    _d = setup_inputs()
    print(jax.jit(kernel)(*tuple(_d.values())))

</pallas_src>

<mosaic_0001>
#map = affine_map<(d0, d1) -> (0, 0)>
#map1 = affine_map<(d0, d1) -> (0)>
module attributes {stable_mosaic.version = 14 : i64} {
  func.func @_combine_body(%arg0: i32, %arg1: i32, %arg2: memref<6144x1024xf32, #tpu.memory_space<hbm>>, %arg3: memref<2048xi32, #tpu.memory_space<hbm>>, %arg4: memref<2048xi32, #tpu.memory_space<hbm>>, %arg5: memref<2048x1024xf32, #tpu.memory_space<hbm>>, %arg6: memref<2048x1024xf32, #tpu.memory_space<hbm>>, %arg7: memref<32x1024xf32, #tpu.memory_space<vmem>>, %arg8: memref<32x1024xf32, #tpu.memory_space<vmem>>, %arg9: memref<64xi32, #tpu.memory_space<vmem>>, %arg10: memref<64xi32, #tpu.memory_space<vmem>>, %arg11: memref<!tpu.dma_semaphore, #tpu.memory_space<semaphore_mem>>, %arg12: memref<!tpu.dma_semaphore, #tpu.memory_space<semaphore_mem>>) attributes {dimension_semantics = [#tpu.dimension_semantics<core_parallel>, #tpu.dimension_semantics<subcore_parallel>], iteration_bounds = array<i64: 2, 16>, scalar_prefetch = 0 : i64, scratch_operands = 6 : i64, tpu.core_type = #tpu.core_type<sc_vector_subcore>, window_params = [{transform_indices = #map}, {transform_indices = #map1}, {transform_indices = #map1}, {transform_indices = #map}, {transform_indices = #map}]} {
    %mul3A = arith.constant 2 : i32
    %mul3A_0 = arith.muli %arg1, %mul3A : i32
    %add3A = arith.addi %mul3A_0, %arg0 : i32
    %mul3A_1 = arith.constant 64 : i32
    %mul3A_2 = arith.muli %add3A, %mul3A_1 : i32
    "tpu.region"() ({
      %run_scoped3A = tpu.sem_alloc : memref<!tpu.dma_semaphore, #tpu.memory_space<semaphore_mem>>
      %dma_start3A_49 = tpu.memref_slice %arg3[%mul3A_2] : memref<2048xi32, #tpu.memory_space<hbm>> -> memref<64xi32, #tpu.memory_space<hbm>>
      %dma_start3A_50 = tpu.memref_slice %arg3[%mul3A_2] : memref<2048xi32, #tpu.memory_space<hbm>> -> memref<64xi32, #tpu.memory_space<hbm>>
      tpu.enqueue_dma source(%dma_start3A_50 : memref<64xi32, #tpu.memory_space<hbm>>) target(%arg9 : memref<64xi32, #tpu.memory_space<vmem>>) target_semaphore(%run_scoped3A : memref<!tpu.dma_semaphore, #tpu.memory_space<semaphore_mem>>)
      %dma_wait3A_51 = tpu.memref_slice %arg3[%mul3A_2] : memref<2048xi32, #tpu.memory_space<hbm>> -> memref<64xi32, #tpu.memory_space<hbm>>
      %dma_wait3A_52 = tpu.memref_slice %arg3[%mul3A_2] : memref<2048xi32, #tpu.memory_space<hbm>> -> memref<64xi32, #tpu.memory_space<hbm>>
      tpu.wait_dma2 semaphore(%run_scoped3A : memref<!tpu.dma_semaphore, #tpu.memory_space<semaphore_mem>>) src(%dma_wait3A_52 : memref<64xi32, #tpu.memory_space<hbm>>) dst(%arg9 : memref<64xi32, #tpu.memory_space<vmem>>)
      tpu.yield
    }) : () -> ()
    "tpu.region"() ({
      %run_scoped3A = tpu.sem_alloc : memref<!tpu.dma_semaphore, #tpu.memory_space<semaphore_mem>>
      %dma_start3A_49 = tpu.memref_slice %arg4[%mul3A_2] : memref<2048xi32, #tpu.memory_space<hbm>> -> memref<64xi32, #tpu.memory_space<hbm>>
      %dma_start3A_50 = tpu.memref_slice %arg4[%mul3A_2] : memref<2048xi32, #tpu.memory_space<hbm>> -> memref<64xi32, #tpu.memory_space<hbm>>
      tpu.enqueue_dma source(%dma_start3A_50 : memref<64xi32, #tpu.memory_space<hbm>>) target(%arg10 : memref<64xi32, #tpu.memory_space<vmem>>) target_semaphore(%run_scoped3A : memref<!tpu.dma_semaphore, #tpu.memory_space<semaphore_mem>>)
      %dma_wait3A_51 = tpu.memref_slice %arg4[%mul3A_2] : memref<2048xi32, #tpu.memory_space<hbm>> -> memref<64xi32, #tpu.memory_space<hbm>>
      %dma_wait3A_52 = tpu.memref_slice %arg4[%mul3A_2] : memref<2048xi32, #tpu.memory_space<hbm>> -> memref<64xi32, #tpu.memory_space<hbm>>
      tpu.wait_dma2 semaphore(%run_scoped3A : memref<!tpu.dma_semaphore, #tpu.memory_space<semaphore_mem>>) src(%dma_wait3A_52 : memref<64xi32, #tpu.memory_space<hbm>>) dst(%arg10 : memref<64xi32, #tpu.memory_space<vmem>>)
      tpu.yield
    }) : () -> ()
    %dma_start3A = arith.constant 0 : i32
    %dma_start3A_3 = tpu.memref_slice %arg9[%dma_start3A] : memref<64xi32, #tpu.memory_space<vmem>> -> memref<32xi32, #tpu.memory_space<vmem>>
    %dma_start3A_4 = arith.constant 0 : i32
    %dma_start3A_5 = arith.constant 0 : i32
    %dma_start3A_6 = tpu.memref_slice %arg2[%dma_start3A_4, %dma_start3A_5] : memref<6144x1024xf32, #tpu.memory_space<hbm>> -> memref<6144x1024xf32, #tpu.memory_space<hbm>>
    tpu.enqueue_indirect_dma source(%dma_start3A_6 : memref<6144x1024xf32, #tpu.memory_space<hbm>>) target(%arg7 : memref<32x1024xf32, #tpu.memory_space<vmem>>) offsets(%dma_start3A_3 : memref<32xi32, #tpu.memory_space<vmem>>) semaphore(%arg11 : memref<!tpu.dma_semaphore, #tpu.memory_space<semaphore_mem>>)
    %dma_start3A_7 = arith.constant 32 : i32
    %dma_start3A_8 = tpu.memref_slice %arg9[%dma_start3A_7] : memref<64xi32, #tpu.memory_space<vmem>> -> memref<32xi32, #tpu.memory_space<vmem>>
    %dma_start3A_9 = arith.constant 0 : i32
    %dma_start3A_10 = arith.constant 0 : i32
    %dma_start3A_11 = tpu.memref_slice %arg2[%dma_start3A_9, %dma_start3A_10] : memref<6144x1024xf32, #tpu.memory_space<hbm>> -> memref<6144x1024xf32, #tpu.memory_space<hbm>>
    tpu.enqueue_indirect_dma source(%dma_start3A_11 : memref<6144x1024xf32, #tpu.memory_space<hbm>>) target(%arg8 : memref<32x1024xf32, #tpu.memory_space<vmem>>) offsets(%dma_start3A_8 : memref<32xi32, #tpu.memory_space<vmem>>) semaphore(%arg12 : memref<!tpu.dma_semaphore, #tpu.memory_space<semaphore_mem>>)
    %dma_wait3A = arith.constant 0 : i32
    %dma_wait3A_12 = tpu.memref_slice %arg9[%dma_wait3A] : memref<64xi32, #tpu.memory_space<vmem>> -> memref<32xi32, #tpu.memory_space<vmem>>
    %dma_wait3A_13 = arith.constant 0 : i32
    %dma_wait3A_14 = arith.constant 0 : i32
    %dma_wait3A_15 = tpu.memref_slice %arg2[%dma_wait3A_13, %dma_wait3A_14] : memref<6144x1024xf32, #tpu.memory_space<hbm>> -> memref<6144x1024xf32, #tpu.memory_space<hbm>>
    tpu.wait_indirect_dma semaphore(%arg11 : memref<!tpu.dma_semaphore, #tpu.memory_space<semaphore_mem>>) src(%dma_wait3A_15 : memref<6144x1024xf32, #tpu.memory_space<hbm>>) dst(%arg7 : memref<32x1024xf32, #tpu.memory_space<vmem>>)
    %add3A_16 = arith.constant 0 : i32
    %add3A_17 = arith.addi %mul3A_2, %add3A_16 : i32
    "tpu.region"() ({
      %run_scoped3A = tpu.sem_alloc : memref<!tpu.dma_semaphore, #tpu.memory_space<semaphore_mem>>
      %dma_start3A_49 = arith.constant 0 : i32
      %dma_start3A_50 = tpu.memref_slice %arg5[%add3A_17, %dma_start3A_49] : memref<2048x1024xf32, #tpu.memory_space<hbm>> -> memref<32x1024xf32, #tpu.memory_space<hbm>>
      %dma_start3A_51 = arith.constant 0 : i32
      %dma_start3A_52 = tpu.memref_slice %arg5[%add3A_17, %dma_start3A_51] : memref<2048x1024xf32, #tpu.memory_space<hbm>> -> memref<32x1024xf32, #tpu.memory_space<hbm>>
      tpu.enqueue_dma source(%arg7 : memref<32x1024xf32, #tpu.memory_space<vmem>>) target(%dma_start3A_52 : memref<32x1024xf32, #tpu.memory_space<hbm>>) target_semaphore(%run_scoped3A : memref<!tpu.dma_semaphore, #tpu.memory_space<semaphore_mem>>)
      %dma_wait3A_53 = arith.constant 0 : i32
      %dma_wait3A_54 = tpu.memref_slice %arg5[%add3A_17, %dma_wait3A_53] : memref<2048x1024xf32, #tpu.memory_space<hbm>> -> memref<32x1024xf32, #tpu.memory_space<hbm>>
      %dma_wait3A_55 = arith.constant 0 : i32
      %dma_wait3A_56 = tpu.memref_slice %arg5[%add3A_17, %dma_wait3A_55] : memref<2048x1024xf32, #tpu.memory_space<hbm>> -> memref<32x1024xf32, #tpu.memory_space<hbm>>
      tpu.wait_dma2 semaphore(%run_scoped3A : memref<!tpu.dma_semaphore, #tpu.memory_space<semaphore_mem>>) src(%arg7 : memref<32x1024xf32, #tpu.memory_space<vmem>>) dst(%dma_wait3A_56 : memref<32x1024xf32, #tpu.memory_space<hbm>>)
      tpu.yield
    }) : () -> ()
    %dma_start3A_18 = arith.constant 0 : i32
    %dma_start3A_19 = tpu.memref_slice %arg10[%dma_start3A_18] : memref<64xi32, #tpu.memory_space<vmem>> -> memref<32xi32, #tpu.memory_space<vmem>>
    %dma_start3A_20 = arith.constant 0 : i32
    %dma_start3A_21 = arith.constant 0 : i32
    %dma_start3A_22 = tpu.memref_slice %arg2[%dma_start3A_20, %dma_start3A_21] : memref<6144x1024xf32, #tpu.memory_space<hbm>> -> memref<6144x1024xf32, #tpu.memory_space<hbm>>
    tpu.enqueue_indirect_dma source(%dma_start3A_22 : memref<6144x1024xf32, #tpu.memory_space<hbm>>) target(%arg7 : memref<32x1024xf32, #tpu.memory_space<vmem>>) offsets(%dma_start3A_19 : memref<32xi32, #tpu.memory_space<vmem>>) semaphore(%arg11 : memref<!tpu.dma_semaphore, #tpu.memory_space<semaphore_mem>>)
    %dma_wait3A_23 = arith.constant 32 : i32
    %dma_wait3A_24 = tpu.memref_slice %arg9[%dma_wait3A_23] : memref<64xi32, #tpu.memory_space<vmem>> -> memref<32xi32, #tpu.memory_space<vmem>>
    %dma_wait3A_25 = arith.constant 0 : i32
    %dma_wait3A_26 = arith.constant 0 : i32
    %dma_wait3A_27 = tpu.memref_slice %arg2[%dma_wait3A_25, %dma_wait3A_26] : memref<6144x1024xf32, #tpu.memory_space<hbm>> -> memref<6144x1024xf32, #tpu.memory_space<hbm>>
    tpu.wait_indirect_dma semaphore(%arg12 : memref<!tpu.dma_semaphore, #tpu.memory_space<semaphore_mem>>) src(%dma_wait3A_27 : memref<6144x1024xf32, #tpu.memory_space<hbm>>) dst(%arg8 : memref<32x1024xf32, #tpu.memory_space<vmem>>)
    %add3A_28 = arith.constant 32 : i32
    %add3A_29 = arith.addi %mul3A_2, %add3A_28 : i32
    "tpu.region"() ({
      %run_scoped3A = tpu.sem_alloc : memref<!tpu.dma_semaphore, #tpu.memory_space<semaphore_mem>>
      %dma_start3A_49 = arith.constant 0 : i32
      %dma_start3A_50 = tpu.memref_slice %arg5[%add3A_29, %dma_start3A_49] : memref<2048x1024xf32, #tpu.memory_space<hbm>> -> memref<32x1024xf32, #tpu.memory_space<hbm>>
      %dma_start3A_51 = arith.constant 0 : i32
      %dma_start3A_52 = tpu.memref_slice %arg5[%add3A_29, %dma_start3A_51] : memref<2048x1024xf32, #tpu.memory_space<hbm>> -> memref<32x1024xf32, #tpu.memory_space<hbm>>
      tpu.enqueue_dma source(%arg8 : memref<32x1024xf32, #tpu.memory_space<vmem>>) target(%dma_start3A_52 : memref<32x1024xf32, #tpu.memory_space<hbm>>) target_semaphore(%run_scoped3A : memref<!tpu.dma_semaphore, #tpu.memory_space<semaphore_mem>>)
      %dma_wait3A_53 = arith.constant 0 : i32
      %dma_wait3A_54 = tpu.memref_slice %arg5[%add3A_29, %dma_wait3A_53] : memref<2048x1024xf32, #tpu.memory_space<hbm>> -> memref<32x1024xf32, #tpu.memory_space<hbm>>
      %dma_wait3A_55 = arith.constant 0 : i32
      %dma_wait3A_56 = tpu.memref_slice %arg5[%add3A_29, %dma_wait3A_55] : memref<2048x1024xf32, #tpu.memory_space<hbm>> -> memref<32x1024xf32, #tpu.memory_space<hbm>>
      tpu.wait_dma2 semaphore(%run_scoped3A : memref<!tpu.dma_semaphore, #tpu.memory_space<semaphore_mem>>) src(%arg8 : memref<32x1024xf32, #tpu.memory_space<vmem>>) dst(%dma_wait3A_56 : memref<32x1024xf32, #tpu.memory_space<hbm>>)
      tpu.yield
    }) : () -> ()
    %dma_start3A_30 = arith.constant 32 : i32
    %dma_start3A_31 = tpu.memref_slice %arg10[%dma_start3A_30] : memref<64xi32, #tpu.memory_space<vmem>> -> memref<32xi32, #tpu.memory_space<vmem>>
    %dma_start3A_32 = arith.constant 0 : i32
    %dma_start3A_33 = arith.constant 0 : i32
    %dma_start3A_34 = tpu.memref_slice %arg2[%dma_start3A_32, %dma_start3A_33] : memref<6144x1024xf32, #tpu.memory_space<hbm>> -> memref<6144x1024xf32, #tpu.memory_space<hbm>>
    tpu.enqueue_indirect_dma source(%dma_start3A_34 : memref<6144x1024xf32, #tpu.memory_space<hbm>>) target(%arg8 : memref<32x1024xf32, #tpu.memory_space<vmem>>) offsets(%dma_start3A_31 : memref<32xi32, #tpu.memory_space<vmem>>) semaphore(%arg12 : memref<!tpu.dma_semaphore, #tpu.memory_space<semaphore_mem>>)
    %dma_wait3A_35 = arith.constant 0 : i32
    %dma_wait3A_36 = tpu.memref_slice %arg10[%dma_wait3A_35] : memref<64xi32, #tpu.memory_space<vmem>> -> memref<32xi32, #tpu.memory_space<vmem>>
    %dma_wait3A_37 = arith.constant 0 : i32
    %dma_wait3A_38 = arith.constant 0 : i32
    %dma_wait3A_39 = tpu.memref_slice %arg2[%dma_wait3A_37, %dma_wait3A_38] : memref<6144x1024xf32, #tpu.memory_space<hbm>> -> memref<6144x1024xf32, #tpu.memory_space<hbm>>
    tpu.wait_indirect_dma semaphore(%arg11 : memref<!tpu.dma_semaphore, #tpu.memory_space<semaphore_mem>>) src(%dma_wait3A_39 : memref<6144x1024xf32, #tpu.memory_space<hbm>>) dst(%arg7 : memref<32x1024xf32, #tpu.memory_space<vmem>>)
    %add3A_40 = arith.constant 0 : i32
    %add3A_41 = arith.addi %mul3A_2, %add3A_40 : i32
    "tpu.region"() ({
      %run_scoped3A = tpu.sem_alloc : memref<!tpu.dma_semaphore, #tpu.memory_space<semaphore_mem>>
      %dma_start3A_49 = arith.constant 0 : i32
      %dma_start3A_50 = tpu.memref_slice %arg6[%add3A_41, %dma_start3A_49] : memref<2048x1024xf32, #tpu.memory_space<hbm>> -> memref<32x1024xf32, #tpu.memory_space<hbm>>
      %dma_start3A_51 = arith.constant 0 : i32
      %dma_start3A_52 = tpu.memref_slice %arg6[%add3A_41, %dma_start3A_51] : memref<2048x1024xf32, #tpu.memory_space<hbm>> -> memref<32x1024xf32, #tpu.memory_space<hbm>>
      tpu.enqueue_dma source(%arg7 : memref<32x1024xf32, #tpu.memory_space<vmem>>) target(%dma_start3A_52 : memref<32x1024xf32, #tpu.memory_space<hbm>>) target_semaphore(%run_scoped3A : memref<!tpu.dma_semaphore, #tpu.memory_space<semaphore_mem>>)
      %dma_wait3A_53 = arith.constant 0 : i32
      %dma_wait3A_54 = tpu.memref_slice %arg6[%add3A_41, %dma_wait3A_53] : memref<2048x1024xf32, #tpu.memory_space<hbm>> -> memref<32x1024xf32, #tpu.memory_space<hbm>>
      %dma_wait3A_55 = arith.constant 0 : i32
      %dma_wait3A_56 = tpu.memref_slice %arg6[%add3A_41, %dma_wait3A_55] : memref<2048x1024xf32, #tpu.memory_space<hbm>> -> memref<32x1024xf32, #tpu.memory_space<hbm>>
      tpu.wait_dma2 semaphore(%run_scoped3A : memref<!tpu.dma_semaphore, #tpu.memory_space<semaphore_mem>>) src(%arg7 : memref<32x1024xf32, #tpu.memory_space<vmem>>) dst(%dma_wait3A_56 : memref<32x1024xf32, #tpu.memory_space<hbm>>)
      tpu.yield
    }) : () -> ()
    %dma_wait3A_42 = arith.constant 32 : i32
    %dma_wait3A_43 = tpu.memref_slice %arg10[%dma_wait3A_42] : memref<64xi32, #tpu.memory_space<vmem>> -> memref<32xi32, #tpu.memory_space<vmem>>
    %dma_wait3A_44 = arith.constant 0 : i32
    %dma_wait3A_45 = arith.constant 0 : i32
    %dma_wait3A_46 = tpu.memref_slice %arg2[%dma_wait3A_44, %dma_wait3A_45] : memref<6144x1024xf32, #tpu.memory_space<hbm>> -> memref<6144x1024xf32, #tpu.memory_space<hbm>>
    tpu.wait_indirect_dma semaphore(%arg12 : memref<!tpu.dma_semaphore, #tpu.memory_space<semaphore_mem>>) src(%dma_wait3A_46 : memref<6144x1024xf32, #tpu.memory_space<hbm>>) dst(%arg8 : memref<32x1024xf32, #tpu.memory_space<vmem>>)
    %add3A_47 = arith.constant 32 : i32
    %add3A_48 = arith.addi %mul3A_2, %add3A_47 : i32
    "tpu.region"() ({
      %run_scoped3A = tpu.sem_alloc : memref<!tpu.dma_semaphore, #tpu.memory_space<semaphore_mem>>
      %dma_start3A_49 = arith.constant 0 : i32
      %dma_start3A_50 = tpu.memref_slice %arg6[%add3A_48, %dma_start3A_49] : memref<2048x1024xf32, #tpu.memory_space<hbm>> -> memref<32x1024xf32, #tpu.memory_space<hbm>>
      %dma_start3A_51 = arith.constant 0 : i32
      %dma_start3A_52 = tpu.memref_slice %arg6[%add3A_48, %dma_start3A_51] : memref<2048x1024xf32, #tpu.memory_space<hbm>> -> memref<32x1024xf32, #tpu.memory_space<hbm>>
      tpu.enqueue_dma source(%arg8 : memref<32x1024xf32, #tpu.memory_space<vmem>>) target(%dma_start3A_52 : memref<32x1024xf32, #tpu.memory_space<hbm>>) target_semaphore(%run_scoped3A : memref<!tpu.dma_semaphore, #tpu.memory_space<semaphore_mem>>)
      %dma_wait3A_53 = arith.constant 0 : i32
      %dma_wait3A_54 = tpu.memref_slice %arg6[%add3A_48, %dma_wait3A_53] : memref<2048x1024xf32, #tpu.memory_space<hbm>> -> memref<32x1024xf32, #tpu.memory_space<hbm>>
      %dma_wait3A_55 = arith.constant 0 : i32
      %dma_wait3A_56 = tpu.memref_slice %arg6[%add3A_48, %dma_wait3A_55] : memref<2048x1024xf32, #tpu.memory_space<hbm>> -> memref<32x1024xf32, #tpu.memory_space<hbm>>
      tpu.wait_dma2 semaphore(%run_scoped3A : memref<!tpu.dma_semaphore, #tpu.memory_space<semaphore_mem>>) src(%arg8 : memref<32x1024xf32, #tpu.memory_space<vmem>>) dst(%dma_wait3A_56 : memref<32x1024xf32, #tpu.memory_space<hbm>>)
      tpu.yield
    }) : () -> ()
    return
  }
}

#map = affine_map<(d0, d1) -> (0, 0)>
#map1 = affine_map<(d0, d1) -> (0)>
module attributes {stable_mosaic.version = 14 : i64} {
  func.func @_dispatch_body(%arg0: i32, %arg1: i32, %arg2: memref<2048x1024xf32, #tpu.memory_space<hbm>>, %arg3: memref<2048xi32, #tpu.memory_space<hbm>>, %arg4: memref<2048xi32, #tpu.memory_space<hbm>>, %arg5: memref<2048xi32, #tpu.memory_space<hbm>>, %arg6: memref<2048xi32, #tpu.memory_space<hbm>>, %arg7: memref<128xi32, #tpu.memory_space<hbm>>, %arg8: memref<6144x1024xf32, #tpu.memory_space<hbm>>, %arg9: memref<2048xi32, #tpu.memory_space<hbm>>, %arg10: memref<2048xi32, #tpu.memory_space<hbm>>, %arg11: memref<64x1024xf32, #tpu.memory_space<vmem>>, %arg12: memref<64xi32, #tpu.memory_space<vmem>>, %arg13: memref<64xi32, #tpu.memory_space<vmem>>, %arg14: memref<64xi32, #tpu.memory_space<vmem>>, %arg15: memref<64xi32, #tpu.memory_space<vmem>>, %arg16: memref<8xi32, #tpu.memory_space<vmem>>, %arg17: memref<!tpu.dma_semaphore, #tpu.memory_space<semaphore_mem>>, %arg18: memref<!tpu.dma_semaphore, #tpu.memory_space<semaphore_mem>>) attributes {dimension_semantics = [#tpu.dimension_semantics<core_parallel>, #tpu.dimension_semantics<subcore_parallel>], iteration_bounds = array<i64: 2, 16>, scalar_prefetch = 0 : i64, scratch_operands = 8 : i64, tpu.core_type = #tpu.core_type<sc_vector_subcore>, window_params = [{transform_indices = #map}, {transform_indices = #map1}, {transform_indices = #map1}, {transform_indices = #map1}, {transform_indices = #map1}, {transform_indices = #map1}, {transform_indices = #map}, {transform_indices = #map1}, {transform_indices = #map1}]} {
    %mul3A = arith.constant 2 : i32
    %mul3A_0 = arith.muli %arg1, %mul3A : i32
    %add3A = arith.addi %mul3A_0, %arg0 : i32
    %mul3A_1 = arith.constant 64 : i32
    %mul3A_2 = arith.muli %add3A, %mul3A_1 : i32
    %dma_start3A = arith.constant 0 : i32
    %dma_start3A_3 = tpu.memref_slice %arg2[%mul3A_2, %dma_start3A] : memref<2048x1024xf32, #tpu.memory_space<hbm>> -> memref<64x1024xf32, #tpu.memory_space<hbm>>
    %dma_start3A_4 = arith.constant 0 : i32
    %dma_start3A_5 = tpu.memref_slice %arg2[%mul3A_2, %dma_start3A_4] : memref<2048x1024xf32, #tpu.memory_space<hbm>> -> memref<64x1024xf32, #tpu.memory_space<hbm>>
    tpu.enqueue_dma source(%dma_start3A_5 : memref<64x1024xf32, #tpu.memory_space<hbm>>) target(%arg11 : memref<64x1024xf32, #tpu.memory_space<vmem>>) target_semaphore(%arg18 : memref<!tpu.dma_semaphore, #tpu.memory_space<semaphore_mem>>)
    "tpu.region"() ({
      %run_scoped3A = tpu.sem_alloc : memref<!tpu.dma_semaphore, #tpu.memory_space<semaphore_mem>>
      %dma_start3A_82 = arith.constant 0 : i32
      %dma_start3A_83 = tpu.memref_slice %arg7[%dma_start3A_82] : memref<128xi32, #tpu.memory_space<hbm>> -> memref<8xi32, #tpu.memory_space<hbm>>
      %dma_start3A_84 = arith.constant 0 : i32
      %dma_start3A_85 = tpu.memref_slice %arg7[%dma_start3A_84] : memref<128xi32, #tpu.memory_space<hbm>> -> memref<8xi32, #tpu.memory_space<hbm>>
      tpu.enqueue_dma source(%dma_start3A_85 : memref<8xi32, #tpu.memory_space<hbm>>) target(%arg16 : memref<8xi32, #tpu.memory_space<vmem>>) target_semaphore(%run_scoped3A : memref<!tpu.dma_semaphore, #tpu.memory_space<semaphore_mem>>)
      %dma_wait3A_86 = arith.constant 0 : i32
      %dma_wait3A_87 = tpu.memref_slice %arg7[%dma_wait3A_86] : memref<128xi32, #tpu.memory_space<hbm>> -> memref<8xi32, #tpu.memory_space<hbm>>
      %dma_wait3A_88 = arith.constant 0 : i32
      %dma_wait3A_89 = tpu.memref_slice %arg7[%dma_wait3A_88] : memref<128xi32, #tpu.memory_space<hbm>> -> memref<8xi32, #tpu.memory_space<hbm>>
      tpu.wait_dma2 semaphore(%run_scoped3A : memref<!tpu.dma_semaphore, #tpu.memory_space<semaphore_mem>>) src(%dma_wait3A_89 : memref<8xi32, #tpu.memory_space<hbm>>) dst(%arg16 : memref<8xi32, #tpu.memory_space<vmem>>)
      tpu.yield
    }) : () -> ()
    "tpu.region"() ({
      %run_scoped3A = tpu.sem_alloc : memref<!tpu.dma_semaphore, #tpu.memory_space<semaphore_mem>>
      %dma_start3A_82 = tpu.memref_slice %arg3[%mul3A_2] : memref<2048xi32, #tpu.memory_space<hbm>> -> memref<64xi32, #tpu.memory_space<hbm>>
      %dma_start3A_83 = tpu.memref_slice %arg3[%mul3A_2] : memref<2048xi32, #tpu.memory_space<hbm>> -> memref<64xi32, #tpu.memory_space<hbm>>
      tpu.enqueue_dma source(%dma_start3A_83 : memref<64xi32, #tpu.memory_space<hbm>>) target(%arg12 : memref<64xi32, #tpu.memory_space<vmem>>) target_semaphore(%run_scoped3A : memref<!tpu.dma_semaphore, #tpu.memory_space<semaphore_mem>>)
      %dma_wait3A_84 = tpu.memref_slice %arg3[%mul3A_2] : memref<2048xi32, #tpu.memory_space<hbm>> -> memref<64xi32, #tpu.memory_space<hbm>>
      %dma_wait3A_85 = tpu.memref_slice %arg3[%mul3A_2] : memref<2048xi32, #tpu.memory_space<hbm>> -> memref<64xi32, #tpu.memory_space<hbm>>
      tpu.wait_dma2 semaphore(%run_scoped3A : memref<!tpu.dma_semaphore, #tpu.memory_space<semaphore_mem>>) src(%dma_wait3A_85 : memref<64xi32, #tpu.memory_space<hbm>>) dst(%arg12 : memref<64xi32, #tpu.memory_space<vmem>>)
      tpu.yield
    }) : () -> ()
    "tpu.region"() ({
      %run_scoped3A = tpu.sem_alloc : memref<!tpu.dma_semaphore, #tpu.memory_space<semaphore_mem>>
      %dma_start3A_82 = tpu.memref_slice %arg5[%mul3A_2] : memref<2048xi32, #tpu.memory_space<hbm>> -> memref<64xi32, #tpu.memory_space<hbm>>
      %dma_start3A_83 = tpu.memref_slice %arg5[%mul3A_2] : memref<2048xi32, #tpu.memory_space<hbm>> -> memref<64xi32, #tpu.memory_space<hbm>>
      tpu.enqueue_dma source(%dma_start3A_83 : memref<64xi32, #tpu.memory_space<hbm>>) target(%arg13 : memref<64xi32, #tpu.memory_space<vmem>>) target_semaphore(%run_scoped3A : memref<!tpu.dma_semaphore, #tpu.memory_space<semaphore_mem>>)
      %dma_wait3A_84 = tpu.memref_slice %arg5[%mul3A_2] : memref<2048xi32, #tpu.memory_space<hbm>> -> memref<64xi32, #tpu.memory_space<hbm>>
      %dma_wait3A_85 = tpu.memref_slice %arg5[%mul3A_2] : memref<2048xi32, #tpu.memory_space<hbm>> -> memref<64xi32, #tpu.memory_space<hbm>>
      tpu.wait_dma2 semaphore(%run_scoped3A : memref<!tpu.dma_semaphore, #tpu.memory_space<semaphore_mem>>) src(%dma_wait3A_85 : memref<64xi32, #tpu.memory_space<hbm>>) dst(%arg13 : memref<64xi32, #tpu.memory_space<vmem>>)
      tpu.yield
    }) : () -> ()
    %get3A = arith.constant 0 : index
    %get3A_6 = tpu.vector_load %arg12[%get3A] {strides = array<i32>} : memref<64xi32, #tpu.memory_space<vmem>>, vector<16xi32>,
    %get3A_7 = arith.constant 0 : index
    %get3A_8 = tpu.vector_load %arg13[%get3A_7] {strides = array<i32>} : memref<64xi32, #tpu.memory_space<vmem>>, vector<16xi32>,
    %gather3A = tpu.vector_load_idx %arg16[%get3A_6] : memref<8xi32, #tpu.memory_space<vmem>>[vector<16xi32>], vector<16xi32>,
    %add3A_9 = arith.addi %gather3A, %get3A_8 : vector<16xi32>
    %swap3A = arith.constant 0 : index
    %swap3A_10 = tpu.vector_load %arg14[%swap3A] {strides = array<i32>} : memref<64xi32, #tpu.memory_space<vmem>>, vector<16xi32>,
    tpu.vector_store %arg14[%swap3A], %add3A_9 {strides = array<i32>} : memref<64xi32, #tpu.memory_space<vmem>>, vector<16xi32>,
    %get3A_11 = arith.constant 16 : index
    %get3A_12 = tpu.vector_load %arg12[%get3A_11] {strides = array<i32>} : memref<64xi32, #tpu.memory_space<vmem>>, vector<16xi32>,
    %get3A_13 = arith.constant 16 : index
    %get3A_14 = tpu.vector_load %arg13[%get3A_13] {strides = array<i32>} : memref<64xi32, #tpu.memory_space<vmem>>, vector<16xi32>,
    %gather3A_15 = tpu.vector_load_idx %arg16[%get3A_12] : memref<8xi32, #tpu.memory_space<vmem>>[vector<16xi32>], vector<16xi32>,
    %add3A_16 = arith.addi %gather3A_15, %get3A_14 : vector<16xi32>
    %swap3A_17 = arith.constant 16 : index
    %swap3A_18 = tpu.vector_load %arg14[%swap3A_17] {strides = array<i32>} : memref<64xi32, #tpu.memory_space<vmem>>, vector<16xi32>,
    tpu.vector_store %arg14[%swap3A_17], %add3A_16 {strides = array<i32>} : memref<64xi32, #tpu.memory_space<vmem>>, vector<16xi32>,
    %get3A_19 = arith.constant 32 : index
    %get3A_20 = tpu.vector_load %arg12[%get3A_19] {strides = array<i32>} : memref<64xi32, #tpu.memory_space<vmem>>, vector<16xi32>,
    %get3A_21 = arith.constant 32 : index
    %get3A_22 = tpu.vector_load %arg13[%get3A_21] {strides = array<i32>} : memref<64xi32, #tpu.memory_space<vmem>>, vector<16xi32>,
    %gather3A_23 = tpu.vector_load_idx %arg16[%get3A_20] : memref<8xi32, #tpu.memory_space<vmem>>[vector<16xi32>], vector<16xi32>,
    %add3A_24 = arith.addi %gather3A_23, %get3A_22 : vector<16xi32>
    %swap3A_25 = arith.constant 32 : index
    %swap3A_26 = tpu.vector_load %arg14[%swap3A_25] {strides = array<i32>} : memref<64xi32, #tpu.memory_space<vmem>>, vector<16xi32>,
    tpu.vector_store %arg14[%swap3A_25], %add3A_24 {strides = array<i32>} : memref<64xi32, #tpu.memory_space<vmem>>, vector<16xi32>,
    %get3A_27 = arith.constant 48 : index
    %get3A_28 = tpu.vector_load %arg12[%get3A_27] {strides = array<i32>} : memref<64xi32, #tpu.memory_space<vmem>>, vector<16xi32>,
    %get3A_29 = arith.constant 48 : index
    %get3A_30 = tpu.vector_load %arg13[%get3A_29] {strides = array<i32>} : memref<64xi32, #tpu.memory_space<vmem>>, vector<16xi32>,
    %gather3A_31 = tpu.vector_load_idx %arg16[%get3A_28] : memref<8xi32, #tpu.memory_space<vmem>>[vector<16xi32>], vector<16xi32>,
    %add3A_32 = arith.addi %gather3A_31, %get3A_30 : vector<16xi32>
    %swap3A_33 = arith.constant 48 : index
    %swap3A_34 = tpu.vector_load %arg14[%swap3A_33] {strides = array<i32>} : memref<64xi32, #tpu.memory_space<vmem>>, vector<16xi32>,
    tpu.vector_store %arg14[%swap3A_33], %add3A_32 {strides = array<i32>} : memref<64xi32, #tpu.memory_space<vmem>>, vector<16xi32>,
    "tpu.region"() ({
      %run_scoped3A = tpu.sem_alloc : memref<!tpu.dma_semaphore, #tpu.memory_space<semaphore_mem>>
      %dma_start3A_82 = tpu.memref_slice %arg4[%mul3A_2] : memref<2048xi32, #tpu.memory_space<hbm>> -> memref<64xi32, #tpu.memory_space<hbm>>
      %dma_start3A_83 = tpu.memref_slice %arg4[%mul3A_2] : memref<2048xi32, #tpu.memory_space<hbm>> -> memref<64xi32, #tpu.memory_space<hbm>>
      tpu.enqueue_dma source(%dma_start3A_83 : memref<64xi32, #tpu.memory_space<hbm>>) target(%arg12 : memref<64xi32, #tpu.memory_space<vmem>>) target_semaphore(%run_scoped3A : memref<!tpu.dma_semaphore, #tpu.memory_space<semaphore_mem>>)
      %dma_wait3A_84 = tpu.memref_slice %arg4[%mul3A_2] : memref<2048xi32, #tpu.memory_space<hbm>> -> memref<64xi32, #tpu.memory_space<hbm>>
      %dma_wait3A_85 = tpu.memref_slice %arg4[%mul3A_2] : memref<2048xi32, #tpu.memory_space<hbm>> -> memref<64xi32, #tpu.memory_space<hbm>>
      tpu.wait_dma2 semaphore(%run_scoped3A : memref<!tpu.dma_semaphore, #tpu.memory_space<semaphore_mem>>) src(%dma_wait3A_85 : memref<64xi32, #tpu.memory_space<hbm>>) dst(%arg12 : memref<64xi32, #tpu.memory_space<vmem>>)
      tpu.yield
    }) : () -> ()
    "tpu.region"() ({
      %run_scoped3A = tpu.sem_alloc : memref<!tpu.dma_semaphore, #tpu.memory_space<semaphore_mem>>
      %dma_start3A_82 = tpu.memref_slice %arg6[%mul3A_2] : memref<2048xi32, #tpu.memory_space<hbm>> -> memref<64xi32, #tpu.memory_space<hbm>>
      %dma_start3A_83 = tpu.memref_slice %arg6[%mul3A_2] : memref<2048xi32, #tpu.memory_space<hbm>> -> memref<64xi32, #tpu.memory_space<hbm>>
      tpu.enqueue_dma source(%dma_start3A_83 : memref<64xi32, #tpu.memory_space<hbm>>) target(%arg13 : memref<64xi32, #tpu.memory_space<vmem>>) target_semaphore(%run_scoped3A : memref<!tpu.dma_semaphore, #tpu.memory_space<semaphore_mem>>)
      %dma_wait3A_84 = tpu.memref_slice %arg6[%mul3A_2] : memref<2048xi32, #tpu.memory_space<hbm>> -> memref<64xi32, #tpu.memory_space<hbm>>
      %dma_wait3A_85 = tpu.memref_slice %arg6[%mul3A_2] : memref<2048xi32, #tpu.memory_space<hbm>> -> memref<64xi32, #tpu.memory_space<hbm>>
      tpu.wait_dma2 semaphore(%run_scoped3A : memref<!tpu.dma_semaphore, #tpu.memory_space<semaphore_mem>>) src(%dma_wait3A_85 : memref<64xi32, #tpu.memory_space<hbm>>) dst(%arg13 : memref<64xi32, #tpu.memory_space<vmem>>)
      tpu.yield
    }) : () -> ()
    %get3A_35 = arith.constant 0 : index
    %get3A_36 = tpu.vector_load %arg12[%get3A_35] {strides = array<i32>} : memref<64xi32, #tpu.memory_space<vmem>>, vector<16xi32>,
    %get3A_37 = arith.constant 0 : index
    %get3A_38 = tpu.vector_load %arg13[%get3A_37] {strides = array<i32>} : memref<64xi32, #tpu.memory_space<vmem>>, vector<16xi32>,
    %gather3A_39 = tpu.vector_load_idx %arg16[%get3A_36] : memref<8xi32, #tpu.memory_space<vmem>>[vector<16xi32>], vector<16xi32>,
    %add3A_40 = arith.addi %gather3A_39, %get3A_38 : vector<16xi32>
    %swap3A_41 = arith.constant 0 : index
    %swap3A_42 = tpu.vector_load %arg15[%swap3A_41] {strides = array<i32>} : memref<64xi32, #tpu.memory_space<vmem>>, vector<16xi32>,
    tpu.vector_store %arg15[%swap3A_41], %add3A_40 {strides = array<i32>} : memref<64xi32, #tpu.memory_space<vmem>>, vector<16xi32>,
    %get3A_43 = arith.constant 16 : index
    %get3A_44 = tpu.vector_load %arg12[%get3A_43] {strides = array<i32>} : memref<64xi32, #tpu.memory_space<vmem>>, vector<16xi32>,
    %get3A_45 = arith.constant 16 : index
    %get3A_46 = tpu.vector_load %arg13[%get3A_45] {strides = array<i32>} : memref<64xi32, #tpu.memory_space<vmem>>, vector<16xi32>,
    %gather3A_47 = tpu.vector_load_idx %arg16[%get3A_44] : memref<8xi32, #tpu.memory_space<vmem>>[vector<16xi32>], vector<16xi32>,
    %add3A_48 = arith.addi %gather3A_47, %get3A_46 : vector<16xi32>
    %swap3A_49 = arith.constant 16 : index
    %swap3A_50 = tpu.vector_load %arg15[%swap3A_49] {strides = array<i32>} : memref<64xi32, #tpu.memory_space<vmem>>, vector<16xi32>,
    tpu.vector_store %arg15[%swap3A_49], %add3A_48 {strides = array<i32>} : memref<64xi32, #tpu.memory_space<vmem>>, vector<16xi32>,
    %get3A_51 = arith.constant 32 : index
    %get3A_52 = tpu.vector_load %arg12[%get3A_51] {strides = array<i32>} : memref<64xi32, #tpu.memory_space<vmem>>, vector<16xi32>,
    %get3A_53 = arith.constant 32 : index
    %get3A_54 = tpu.vector_load %arg13[%get3A_53] {strides = array<i32>} : memref<64xi32, #tpu.memory_space<vmem>>, vector<16xi32>,
    %gather3A_55 = tpu.vector_load_idx %arg16[%get3A_52] : memref<8xi32, #tpu.memory_space<vmem>>[vector<16xi32>], vector<16xi32>,
    %add3A_56 = arith.addi %gather3A_55, %get3A_54 : vector<16xi32>
    %swap3A_57 = arith.constant 32 : index
    %swap3A_58 = tpu.vector_load %arg15[%swap3A_57] {strides = array<i32>} : memref<64xi32, #tpu.memory_space<vmem>>, vector<16xi32>,
    tpu.vector_store %arg15[%swap3A_57], %add3A_56 {strides = array<i32>} : memref<64xi32, #tpu.memory_space<vmem>>, vector<16xi32>,
    %get3A_59 = arith.constant 48 : index
    %get3A_60 = tpu.vector_load %arg12[%get3A_59] {strides = array<i32>} : memref<64xi32, #tpu.memory_space<vmem>>, vector<16xi32>,
    %get3A_61 = arith.constant 48 : index
    %get3A_62 = tpu.vector_load %arg13[%get3A_61] {strides = array<i32>} : memref<64xi32, #tpu.memory_space<vmem>>, vector<16xi32>,
    %gather3A_63 = tpu.vector_load_idx %arg16[%get3A_60] : memref<8xi32, #tpu.memory_space<vmem>>[vector<16xi32>], vector<16xi32>,
    %add3A_64 = arith.addi %gather3A_63, %get3A_62 : vector<16xi32>
    %swap3A_65 = arith.constant 48 : index
    %swap3A_66 = tpu.vector_load %arg15[%swap3A_65] {strides = array<i32>} : memref<64xi32, #tpu.memory_space<vmem>>, vector<16xi32>,
    tpu.vector_store %arg15[%swap3A_65], %add3A_64 {strides = array<i32>} : memref<64xi32, #tpu.memory_space<vmem>>, vector<16xi32>,
    "tpu.region"() ({
      %run_scoped3A = tpu.sem_alloc : memref<!tpu.dma_semaphore, #tpu.memory_space<semaphore_mem>>
      %dma_start3A_82 = tpu.memref_slice %arg9[%mul3A_2] : memref<2048xi32, #tpu.memory_space<hbm>> -> memref<64xi32, #tpu.memory_space<hbm>>
      %dma_start3A_83 = tpu.memref_slice %arg9[%mul3A_2] : memref<2048xi32, #tpu.memory_space<hbm>> -> memref<64xi32, #tpu.memory_space<hbm>>
      tpu.enqueue_dma source(%arg14 : memref<64xi32, #tpu.memory_space<vmem>>) target(%dma_start3A_83 : memref<64xi32, #tpu.memory_space<hbm>>) target_semaphore(%run_scoped3A : memref<!tpu.dma_semaphore, #tpu.memory_space<semaphore_mem>>)
      %dma_wait3A_84 = tpu.memref_slice %arg9[%mul3A_2] : memref<2048xi32, #tpu.memory_space<hbm>> -> memref<64xi32, #tpu.memory_space<hbm>>
      %dma_wait3A_85 = tpu.memref_slice %arg9[%mul3A_2] : memref<2048xi32, #tpu.memory_space<hbm>> -> memref<64xi32, #tpu.memory_space<hbm>>
      tpu.wait_dma2 semaphore(%run_scoped3A : memref<!tpu.dma_semaphore, #tpu.memory_space<semaphore_mem>>) src(%arg14 : memref<64xi32, #tpu.memory_space<vmem>>) dst(%dma_wait3A_85 : memref<64xi32, #tpu.memory_space<hbm>>)
      tpu.yield
    }) : () -> ()
    "tpu.region"() ({
      %run_scoped3A = tpu.sem_alloc : memref<!tpu.dma_semaphore, #tpu.memory_space<semaphore_mem>>
      %dma_start3A_82 = tpu.memref_slice %arg10[%mul3A_2] : memref<2048xi32, #tpu.memory_space<hbm>> -> memref<64xi32, #tpu.memory_space<hbm>>
      %dma_start3A_83 = tpu.memref_slice %arg10[%mul3A_2] : memref<2048xi32, #tpu.memory_space<hbm>> -> memref<64xi32, #tpu.memory_space<hbm>>
      tpu.enqueue_dma source(%arg15 : memref<64xi32, #tpu.memory_space<vmem>>) target(%dma_start3A_83 : memref<64xi32, #tpu.memory_space<hbm>>) target_semaphore(%run_scoped3A : memref<!tpu.dma_semaphore, #tpu.memory_space<semaphore_mem>>)
      %dma_wait3A_84 = tpu.memref_slice %arg10[%mul3A_2] : memref<2048xi32, #tpu.memory_space<hbm>> -> memref<64xi32, #tpu.memory_space<hbm>>
      %dma_wait3A_85 = tpu.memref_slice %arg10[%mul3A_2] : memref<2048xi32, #tpu.memory_space<hbm>> -> memref<64xi32, #tpu.memory_space<hbm>>
      tpu.wait_dma2 semaphore(%run_scoped3A : memref<!tpu.dma_semaphore, #tpu.memory_space<semaphore_mem>>) src(%arg15 : memref<64xi32, #tpu.memory_space<vmem>>) dst(%dma_wait3A_85 : memref<64xi32, #tpu.memory_space<hbm>>)
      tpu.yield
    }) : () -> ()
    %dma_wait3A = arith.constant 0 : i32
    %dma_wait3A_67 = tpu.memref_slice %arg2[%mul3A_2, %dma_wait3A] : memref<2048x1024xf32, #tpu.memory_space<hbm>> -> memref<64x1024xf32, #tpu.memory_space<hbm>>
    %dma_wait3A_68 = arith.constant 0 : i32
    %dma_wait3A_69 = tpu.memref_slice %arg2[%mul3A_2, %dma_wait3A_68] : memref<2048x1024xf32, #tpu.memory_space<hbm>> -> memref<64x1024xf32, #tpu.memory_space<hbm>>
    tpu.wait_dma2 semaphore(%arg18 : memref<!tpu.dma_semaphore, #tpu.memory_space<semaphore_mem>>) src(%dma_wait3A_69 : memref<64x1024xf32, #tpu.memory_space<hbm>>) dst(%arg11 : memref<64x1024xf32, #tpu.memory_space<vmem>>)
    %dma_start3A_70 = arith.constant 0 : i32
    %dma_start3A_71 = arith.constant 0 : i32
    %dma_start3A_72 = tpu.memref_slice %arg8[%dma_start3A_70, %dma_start3A_71] : memref<6144x1024xf32, #tpu.memory_space<hbm>> -> memref<6144x1024xf32, #tpu.memory_space<hbm>>
    tpu.enqueue_indirect_dma source(%arg11 : memref<64x1024xf32, #tpu.memory_space<vmem>>) target(%dma_start3A_72 : memref<6144x1024xf32, #tpu.memory_space<hbm>>) offsets(%arg14 : memref<64xi32, #tpu.memory_space<vmem>>) semaphore(%arg17 : memref<!tpu.dma_semaphore, #tpu.memory_space<semaphore_mem>>)
    %dma_start3A_73 = arith.constant 0 : i32
    %dma_start3A_74 = arith.constant 0 : i32
    %dma_start3A_75 = tpu.memref_slice %arg8[%dma_start3A_73, %dma_start3A_74] : memref<6144x1024xf32, #tpu.memory_space<hbm>> -> memref<6144x1024xf32, #tpu.memory_space<hbm>>
    tpu.enqueue_indirect_dma source(%arg11 : memref<64x1024xf32, #tpu.memory_space<vmem>>) target(%dma_start3A_75 : memref<6144x1024xf32, #tpu.memory_space<hbm>>) offsets(%arg15 : memref<64xi32, #tpu.memory_space<vmem>>) semaphore(%arg17 : memref<!tpu.dma_semaphore, #tpu.memory_space<semaphore_mem>>)
    %dma_wait3A_76 = arith.constant 0 : i32
    %dma_wait3A_77 = arith.constant 0 : i32
    %dma_wait3A_78 = tpu.memref_slice %arg8[%dma_wait3A_76, %dma_wait3A_77] : memref<6144x1024xf32, #tpu.memory_space<hbm>> -> memref<6144x1024xf32, #tpu.memory_space<hbm>>
    tpu.wait_indirect_dma semaphore(%arg17 : memref<!tpu.dma_semaphore, #tpu.memory_space<semaphore_mem>>) src(%arg11 : memref<64x1024xf32, #tpu.memory_space<vmem>>) dst(%dma_wait3A_78 : memref<6144x1024xf32, #tpu.memory_space<hbm>>)
    %dma_wait3A_79 = arith.constant 0 : i32
    %dma_wait3A_80 = arith.constant 0 : i32
    %dma_wait3A_81 = tpu.memref_slice %arg8[%dma_wait3A_79, %dma_wait3A_80] : memref<6144x1024xf32, #tpu.memory_space<hbm>> -> memref<6144x1024xf32, #tpu.memory_space<hbm>>
    tpu.wait_indirect_dma semaphore(%arg17 : memref<!tpu.dma_semaphore, #tpu.memory_space<semaphore_mem>>) src(%arg11 : memref<64x1024xf32, #tpu.memory_space<vmem>>) dst(%dma_wait3A_81 : memref<6144x1024xf32, #tpu.memory_space<hbm>>)
    return
  }
}

module attributes {stable_mosaic.version = 14 : i64} {
  func.func @_router_body(%arg0: memref<2048x1024xf32, #tpu.memory_space<vmem>>, %arg1: memref<8x1024xf32, #tpu.memory_space<vmem>>, %arg2: memref<1x8xf32, #tpu.memory_space<vmem>>, %arg3: memref<2048x1xi32, #tpu.memory_space<vmem>>, %arg4: memref<2048x1xi32, #tpu.memory_space<vmem>>, %arg5: memref<2048x1xf32, #tpu.memory_space<vmem>>, %arg6: memref<2048x1xf32, #tpu.memory_space<vmem>>, %arg7: memref<2048x1xi32, #tpu.memory_space<vmem>>, %arg8: memref<2048x1xi32, #tpu.memory_space<vmem>>, %arg9: memref<1x128xi32, #tpu.memory_space<vmem>>, %arg10: memref<1x128xi32, #tpu.memory_space<vmem>>) attributes {dimension_semantics = [], scalar_prefetch = 0 : i64, scratch_operands = 0 : i64, tpu.core_type = #tpu.core_type<tc>} {
    %get3A = arith.constant 0 : index
    %get3A_0 = arith.constant 0 : index
    %get3A_1 = vector.load %arg0[%get3A, %get3A_0] : memref<2048x1024xf32, #tpu.memory_space<vmem>>, vector<2048x1024xf32>
    %get3A_2 = arith.constant 0 : index
    %get3A_3 = arith.constant 0 : index
    %get3A_4 = vector.load %arg1[%get3A_2, %get3A_3] : memref<8x1024xf32, #tpu.memory_space<vmem>>, vector<8x1024xf32>
    %dot_general3A = arith.constant dense<0.000000e+00> : vector<2048x8xf32>
    %dot_general3A_5 = tpu.matmul %get3A_1, %get3A_4, %dot_general3A {dimension_numbers = #tpu.dot_dimension_numbers<[1], [1], [0], [0], [0, 0, 1, 0], [], []>, transpose_lhs_hint = false} : vector<2048x1024xf32>, vector<8x1024xf32>, vector<2048x8xf32> -> vector<2048x8xf32>
    %get3A_6 = arith.constant 0 : index
    %get3A_7 = arith.constant 0 : index
    %get3A_8 = vector.load %arg2[%get3A_6, %get3A_7] : memref<1x8xf32, #tpu.memory_space<vmem>>, vector<1x8xf32>
    %add3A = vector.broadcast %get3A_8 : vector<1x8xf32> to vector<2048x8xf32>
    %add3A_9 = arith.addf %dot_general3A_5, %add3A : vector<2048x8xf32>
    %iota3A = tpu.iota {dimensions = array<i32: 1>} : vector<2048x8xi32>
    %reduce_max3A = arith.constant dense<0xFF800000> : vector<2048xf32>
    %reduce_max3A_10 = vector.multi_reduction <maximumf>, %add3A_9, %reduce_max3A [1] : vector<2048x8xf32> to vector<2048xf32>
    %broadcast_in_dim3A = vector.shape_cast %reduce_max3A_10 : vector<2048xf32> to vector<2048x1xf32>
    %eq3A = vector.broadcast %broadcast_in_dim3A : vector<2048x1xf32> to vector<2048x8xf32>
    %eq3A_11 = arith.cmpf oeq, %add3A_9, %eq3A : vector<2048x8xf32>
    %jit3A = arith.constant 8 : i32
    %broadcast_in_dim3A_12 = vector.broadcast %jit3A : i32 to vector<2048x8xi32>
    %select_n3A = arith.select %eq3A_11, %iota3A, %broadcast_in_dim3A_12 : vector<2048x8xi1>, vector<2048x8xi32>
    %reduce_min3A = arith.constant dense<2147483647> : vector<2048xi32>
    %reduce_min3A_13 = vector.multi_reduction <minsi>, %select_n3A, %reduce_min3A [1] : vector<2048x8xi32> to vector<2048xi32>
    %broadcast_in_dim3A_14 = vector.shape_cast %reduce_min3A_13 : vector<2048xi32> to vector<2048x1xi32>
    %eq3A_15 = vector.broadcast %broadcast_in_dim3A_14 : vector<2048x1xi32> to vector<2048x8xi32>
    %eq3A_16 = arith.cmpi eq, %iota3A, %eq3A_15 : vector<2048x8xi32>
    %jit3A_17 = arith.constant -1.000000e+30 : f32
    %broadcast_in_dim3A_18 = vector.broadcast %jit3A_17 : f32 to vector<2048x8xf32>
    %select_n3A_19 = arith.select %eq3A_16, %broadcast_in_dim3A_18, %add3A_9 : vector<2048x8xi1>, vector<2048x8xf32>
    %reduce_max3A_20 = arith.constant dense<0xFF800000> : vector<2048xf32>
    %reduce_max3A_21 = vector.multi_reduction <maximumf>, %select_n3A_19, %reduce_max3A_20 [1] : vector<2048x8xf32> to vector<2048xf32>
    %broadcast_in_dim3A_22 = vector.shape_cast %reduce_max3A_21 : vector<2048xf32> to vector<2048x1xf32>
    %eq3A_23 = vector.broadcast %broadcast_in_dim3A_22 : vector<2048x1xf32> to vector<2048x8xf32>
    %eq3A_24 = arith.cmpf oeq, %select_n3A_19, %eq3A_23 : vector<2048x8xf32>
    %jit3A_25 = arith.constant 8 : i32
    %broadcast_in_dim3A_26 = vector.broadcast %jit3A_25 : i32 to vector<2048x8xi32>
    %select_n3A_27 = arith.select %eq3A_24, %iota3A, %broadcast_in_dim3A_26 : vector<2048x8xi1>, vector<2048x8xi32>
    %reduce_min3A_28 = arith.constant dense<2147483647> : vector<2048xi32>
    %reduce_min3A_29 = vector.multi_reduction <minsi>, %select_n3A_27, %reduce_min3A_28 [1] : vector<2048x8xi32> to vector<2048xi32>
    %broadcast_in_dim3A_30 = vector.shape_cast %reduce_min3A_29 : vector<2048xi32> to vector<2048x1xi32>
    %eq3A_31 = vector.broadcast %broadcast_in_dim3A_30 : vector<2048x1xi32> to vector<2048x8xi32>
    %eq3A_32 = arith.cmpi eq, %iota3A, %eq3A_31 : vector<2048x8xi32>
    %sub3A = arith.subf %broadcast_in_dim3A_22, %broadcast_in_dim3A : vector<2048x1xf32>
    %exp3A = math.exp %sub3A : vector<2048x1xf32>
    %add3A_33 = arith.constant 1.000000e+00 : f32
    %add3A_34 = vector.broadcast %add3A_33 : f32 to vector<2048x1xf32>
    %add3A_35 = arith.addf %add3A_34, %exp3A : vector<2048x1xf32>
    %div3A = arith.constant 1.000000e+00 : f32
    %div3A_36 = vector.broadcast %div3A : f32 to vector<2048x1xf32>
    %div3A_37 = arith.divf %div3A_36, %add3A_35 : vector<2048x1xf32>
    %add3A_38 = arith.constant 1.000000e+00 : f32
    %add3A_39 = vector.broadcast %add3A_38 : f32 to vector<2048x1xf32>
    %add3A_40 = arith.addf %add3A_39, %exp3A : vector<2048x1xf32>
    %div3A_41 = arith.divf %exp3A, %add3A_40 : vector<2048x1xf32>
    %convert_element_type3A = arith.extui %eq3A_16 : vector<2048x8xi1> to vector<2048x8xi32>
    %convert_element_type3A_42 = arith.sitofp %convert_element_type3A : vector<2048x8xi32> to vector<2048x8xf32>
    %convert_element_type3A_43 = arith.extui %eq3A_32 : vector<2048x8xi1> to vector<2048x8xi32>
    %convert_element_type3A_44 = arith.sitofp %convert_element_type3A_43 : vector<2048x8xi32> to vector<2048x8xf32>
    %add3A_45 = arith.addf %convert_element_type3A_42, %convert_element_type3A_44 : vector<2048x8xf32>
    %iota3A_46 = tpu.iota {dimensions = array<i32: 0>} : vector<2048x2048xi32>
    %iota3A_47 = tpu.iota {dimensions = array<i32: 1>} : vector<2048x2048xi32>
    %lt3A = arith.cmpi slt, %iota3A_47, %iota3A_46 : vector<2048x2048xi32>
    %convert_element_type3A_48 = arith.extui %lt3A : vector<2048x2048xi1> to vector<2048x2048xi32>
    %convert_element_type3A_49 = arith.sitofp %convert_element_type3A_48 : vector<2048x2048xi32> to vector<2048x2048xf32>
    %dot_general3A_50 = arith.constant dense<0.000000e+00> : vector<2048x8xf32>
    %dot_general3A_51 = tpu.matmul %convert_element_type3A_49, %add3A_45, %dot_general3A_50 {dimension_numbers = #tpu.dot_dimension_numbers<[1], [0], [0], [1], [0, 0, 1, 1], [], []>, transpose_lhs_hint = false} : vector<2048x2048xf32>, vector<2048x8xf32>, vector<2048x8xf32> -> vector<2048x8xf32>
    %mul3A = arith.mulf %dot_general3A_51, %convert_element_type3A_42 : vector<2048x8xf32>
    %reduce_sum3A = arith.constant dense<0.000000e+00> : vector<2048xf32>
    %reduce_sum3A_52 = vector.multi_reduction <add>, %mul3A, %reduce_sum3A [1] : vector<2048x8xf32> to vector<2048xf32>
    %broadcast_in_dim3A_53 = vector.shape_cast %reduce_sum3A_52 : vector<2048xf32> to vector<2048x1xf32>
    %mul3A_54 = arith.mulf %dot_general3A_51, %convert_element_type3A_44 : vector<2048x8xf32>
    %reduce_sum3A_55 = arith.constant dense<0.000000e+00> : vector<2048xf32>
    %reduce_sum3A_56 = vector.multi_reduction <add>, %mul3A_54, %reduce_sum3A_55 [1] : vector<2048x8xf32> to vector<2048xf32>
    %broadcast_in_dim3A_57 = vector.shape_cast %reduce_sum3A_56 : vector<2048xf32> to vector<2048x1xf32>
    %reduce_sum3A_58 = arith.constant dense<0.000000e+00> : vector<8xf32>
    %reduce_sum3A_59 = vector.multi_reduction <add>, %add3A_45, %reduce_sum3A_58 [0] : vector<2048x8xf32> to vector<8xf32>
    %broadcast_in_dim3A_60 = vector.shape_cast %reduce_sum3A_59 : vector<8xf32> to vector<1x8xf32>
    %mul3A_61 = arith.constant 3.906250e-03 : f32
    %mul3A_62 = vector.broadcast %mul3A_61 : f32 to vector<1x8xf32>
    %mul3A_63 = arith.mulf %broadcast_in_dim3A_60, %mul3A_62 : vector<1x8xf32>
    %ceil3A = math.ceil %mul3A_63 : vector<1x8xf32>
    %iota3A_64 = tpu.iota {dimensions = array<i32: 0>} : vector<8x8xi32>
    %iota3A_65 = tpu.iota {dimensions = array<i32: 1>} : vector<8x8xi32>
    %le3A = arith.cmpi sle, %iota3A_64, %iota3A_65 : vector<8x8xi32>
    %convert_element_type3A_66 = arith.extui %le3A : vector<8x8xi1> to vector<8x8xi32>
    %convert_element_type3A_67 = arith.sitofp %convert_element_type3A_66 : vector<8x8xi32> to vector<8x8xf32>
    %dot_general3A_68 = arith.constant dense<0.000000e+00> : vector<1x8xf32>
    %dot_general3A_69 = tpu.matmul %ceil3A, %convert_element_type3A_67, %dot_general3A_68 {dimension_numbers = #tpu.dot_dimension_numbers<[1], [0], [0], [1], [0, 0, 1, 1], [], []>, transpose_lhs_hint = false} : vector<1x8xf32>, vector<8x8xf32>, vector<1x8xf32> -> vector<1x8xf32>
    %sub3A_70 = arith.subf %dot_general3A_69, %ceil3A : vector<1x8xf32>
    %mul3A_71 = arith.constant 2.560000e+02 : f32
    %mul3A_72 = vector.broadcast %mul3A_71 : f32 to vector<1x8xf32>
    %mul3A_73 = arith.mulf %sub3A_70, %mul3A_72 : vector<1x8xf32>
    %convert_element_type3A_74 = arith.fptosi %mul3A_73 : vector<1x8xf32> to vector<1x8xi32>
    %slice3A = vector.extract_strided_slice %dot_general3A_69 {offsets = [0, 7], sizes = [1, 1], strides = [1, 1]} : vector<1x8xf32> to vector<1x1xf32>
    %convert_element_type3A_75 = arith.fptosi %slice3A : vector<1x1xf32> to vector<1x1xi32>
    %convert_element_type3A_76 = arith.fptosi %dot_general3A_69 : vector<1x8xf32> to vector<1x8xi32>
    %iota3A_77 = tpu.iota {dimensions = array<i32: 1>} : vector<8x128xi32>
    %reshape3A = vector.shape_cast %convert_element_type3A_76 : vector<1x8xi32> to vector<8x1xi32>
    %broadcast_in_dim3A_78 = vector.shape_cast %reshape3A : vector<8x1xi32> to vector<8x1xi32>
    %broadcast_in_dim3A_79 = vector.broadcast %broadcast_in_dim3A_78 : vector<8x1xi32> to vector<8x128xi32>
    %le3A_80 = arith.cmpi sle, %broadcast_in_dim3A_79, %iota3A_77 : vector<8x128xi32>
    %convert_element_type3A_81 = arith.extui %le3A_80 : vector<8x128xi1> to vector<8x128xi32>
    %reduce_sum3A_82 = arith.constant dense<0> : vector<128xi32>
    %reduce_sum3A_83 = vector.multi_reduction <add>, %convert_element_type3A_81, %reduce_sum3A_82 [0] : vector<8x128xi32> to vector<128xi32>
    %broadcast_in_dim3A_84 = vector.shape_cast %reduce_sum3A_83 : vector<128xi32> to vector<1x128xi32>
    %min3A = arith.constant 7 : i32
    %min3A_85 = vector.broadcast %min3A : i32 to vector<1x128xi32>
    %min3A_86 = arith.minsi %broadcast_in_dim3A_84, %min3A_85 : vector<1x128xi32>
    %broadcast_in_dim3A_87 = arith.constant 1.000000e+00 : f32
    %broadcast_in_dim3A_88 = vector.broadcast %broadcast_in_dim3A_87 : f32 to vector<2048x8xf32>
    %dot_general3A_89 = arith.constant dense<0.000000e+00> : vector<8x8xf32>
    %dot_general3A_90 = tpu.matmul %add3A_45, %broadcast_in_dim3A_88, %dot_general3A_89 {dimension_numbers = #tpu.dot_dimension_numbers<[0], [0], [1], [1], [0, 1, 1, 1], [], []>, transpose_lhs_hint = false} : vector<2048x8xf32>, vector<2048x8xf32>, vector<8x8xf32> -> vector<8x8xf32>
    %mul3A_91 = arith.constant 3.906250e-03 : f32
    %mul3A_92 = vector.broadcast %mul3A_91 : f32 to vector<8x8xf32>
    %mul3A_93 = arith.mulf %dot_general3A_90, %mul3A_92 : vector<8x8xf32>
    %ceil3A_94 = math.ceil %mul3A_93 : vector<8x8xf32>
    %iota3A_95 = tpu.iota {dimensions = array<i32: 0>} : vector<8x8xi32>
    %iota3A_96 = tpu.iota {dimensions = array<i32: 1>} : vector<8x8xi32>
    %gt3A = arith.cmpi sgt, %iota3A_95, %iota3A_96 : vector<8x8xi32>
    %gt3A_97 = arith.constant 0.000000e+00 : f32
    %gt3A_98 = vector.broadcast %gt3A_97 : f32 to vector<8x8xf32>
    %gt3A_99 = arith.cmpf ogt, %ceil3A_94, %gt3A_98 : vector<8x8xf32>
    %and3A = arith.andi %gt3A, %gt3A_99 : vector<8x8xi1>
    %jit3A_100 = arith.constant 8 : i32
    %broadcast_in_dim3A_101 = vector.broadcast %jit3A_100 : i32 to vector<8x8xi32>
    %select_n3A_102 = arith.select %and3A, %iota3A_95, %broadcast_in_dim3A_101 : vector<8x8xi1>, vector<8x8xi32>
    %reduce_min3A_103 = arith.constant dense<2147483647> : vector<8xi32>
    %reduce_min3A_104 = vector.multi_reduction <minsi>, %select_n3A_102, %reduce_min3A_103 [0] : vector<8x8xi32> to vector<8xi32>
    %broadcast_in_dim3A_105 = vector.shape_cast %reduce_min3A_104 : vector<8xi32> to vector<1x8xi32>
    %iota3A_106 = tpu.iota {dimensions = array<i32: 1>} : vector<1x8xi32>
    %eq3A_107 = arith.constant 8 : i32
    %eq3A_108 = vector.broadcast %eq3A_107 : i32 to vector<1x8xi32>
    %eq3A_109 = arith.cmpi eq, %broadcast_in_dim3A_105, %eq3A_108 : vector<1x8xi32>
    %select_n3A_110 = arith.select %eq3A_109, %iota3A_106, %broadcast_in_dim3A_105 : vector<1x8xi1>, vector<1x8xi32>
    %swap3A = arith.constant 0 : index
    %swap3A_111 = arith.constant 0 : index
    %swap3A_112 = vector.load %arg3[%swap3A, %swap3A_111] : memref<2048x1xi32, #tpu.memory_space<vmem>>, vector<2048x1xi32>
    tpu.vector_store %arg3[%swap3A, %swap3A_111], %broadcast_in_dim3A_14 {strides = array<i32>} : memref<2048x1xi32, #tpu.memory_space<vmem>>, vector<2048x1xi32>,
    %swap3A_113 = arith.constant 0 : index
    %swap3A_114 = arith.constant 0 : index
    %swap3A_115 = vector.load %arg4[%swap3A_113, %swap3A_114] : memref<2048x1xi32, #tpu.memory_space<vmem>>, vector<2048x1xi32>
    tpu.vector_store %arg4[%swap3A_113, %swap3A_114], %broadcast_in_dim3A_30 {strides = array<i32>} : memref<2048x1xi32, #tpu.memory_space<vmem>>, vector<2048x1xi32>,
    %swap3A_116 = arith.constant 0 : index
    %swap3A_117 = arith.constant 0 : index
    %swap3A_118 = vector.load %arg5[%swap3A_116, %swap3A_117] : memref<2048x1xf32, #tpu.memory_space<vmem>>, vector<2048x1xf32>
    tpu.vector_store %arg5[%swap3A_116, %swap3A_117], %div3A_37 {strides = array<i32>} : memref<2048x1xf32, #tpu.memory_space<vmem>>, vector<2048x1xf32>,
    %swap3A_119 = arith.constant 0 : index
    %swap3A_120 = arith.constant 0 : index
    %swap3A_121 = vector.load %arg6[%swap3A_119, %swap3A_120] : memref<2048x1xf32, #tpu.memory_space<vmem>>, vector<2048x1xf32>
    tpu.vector_store %arg6[%swap3A_119, %swap3A_120], %div3A_41 {strides = array<i32>} : memref<2048x1xf32, #tpu.memory_space<vmem>>, vector<2048x1xf32>,
    %convert_element_type3A_122 = arith.fptosi %broadcast_in_dim3A_53 : vector<2048x1xf32> to vector<2048x1xi32>
    %swap3A_123 = arith.constant 0 : index
    %swap3A_124 = arith.constant 0 : index
    %swap3A_125 = vector.load %arg7[%swap3A_123, %swap3A_124] : memref<2048x1xi32, #tpu.memory_space<vmem>>, vector<2048x1xi32>
    tpu.vector_store %arg7[%swap3A_123, %swap3A_124], %convert_element_type3A_122 {strides = array<i32>} : memref<2048x1xi32, #tpu.memory_space<vmem>>, vector<2048x1xi32>,
    %convert_element_type3A_126 = arith.fptosi %broadcast_in_dim3A_57 : vector<2048x1xf32> to vector<2048x1xi32>
    %swap3A_127 = arith.constant 0 : index
    %swap3A_128 = arith.constant 0 : index
    %swap3A_129 = vector.load %arg8[%swap3A_127, %swap3A_128] : memref<2048x1xi32, #tpu.memory_space<vmem>>, vector<2048x1xi32>
    tpu.vector_store %arg8[%swap3A_127, %swap3A_128], %convert_element_type3A_126 {strides = array<i32>} : memref<2048x1xi32, #tpu.memory_space<vmem>>, vector<2048x1xi32>,
    %swap3A_130 = arith.constant 0 : index
    %swap3A_131 = arith.constant 0 : index
    %swap3A_132 = vector.load %arg9[%swap3A_130, %swap3A_131] : memref<1x128xi32, #tpu.memory_space<vmem>>, vector<1x128xi32>
    tpu.vector_store %arg9[%swap3A_130, %swap3A_131], %min3A_86 {strides = array<i32>} : memref<1x128xi32, #tpu.memory_space<vmem>>, vector<1x128xi32>,
    %swap3A_133 = arith.constant 0 : index
    %swap3A_134 = arith.constant 0 : index
    %swap3A_135 = vector.load %arg10[%swap3A_133, %swap3A_134] : memref<1x128xi32, #tpu.memory_space<vmem>>, vector<1x8xi32>
    tpu.vector_store %arg10[%swap3A_133, %swap3A_134], %convert_element_type3A_74 {strides = array<i32>} : memref<1x128xi32, #tpu.memory_space<vmem>>, vector<1x8xi32>,
    %swap3A_136 = arith.constant 0 : index
    %swap3A_137 = arith.constant 8 : index
    %swap3A_138 = vector.load %arg10[%swap3A_136, %swap3A_137] : memref<1x128xi32, #tpu.memory_space<vmem>>, vector<1x1xi32>
    tpu.vector_store %arg10[%swap3A_136, %swap3A_137], %convert_element_type3A_75 {strides = array<i32>} : memref<1x128xi32, #tpu.memory_space<vmem>>, vector<1x1xi32>,
    %broadcast_in_dim3A_139 = arith.constant 0 : i32
    %broadcast_in_dim3A_140 = vector.broadcast %broadcast_in_dim3A_139 : i32 to vector<1x7xi32>
    %swap3A_141 = arith.constant 0 : index
    %swap3A_142 = arith.constant 9 : index
    %swap3A_143 = vector.load %arg10[%swap3A_141, %swap3A_142] : memref<1x128xi32, #tpu.memory_space<vmem>>, vector<1x7xi32>
    tpu.vector_store %arg10[%swap3A_141, %swap3A_142], %broadcast_in_dim3A_140 {strides = array<i32>} : memref<1x128xi32, #tpu.memory_space<vmem>>, vector<1x7xi32>,
    %swap3A_144 = arith.constant 0 : index
    %swap3A_145 = arith.constant 16 : index
    %swap3A_146 = vector.load %arg10[%swap3A_144, %swap3A_145] : memref<1x128xi32, #tpu.memory_space<vmem>>, vector<1x8xi32>
    tpu.vector_store %arg10[%swap3A_144, %swap3A_145], %select_n3A_110 {strides = array<i32>} : memref<1x128xi32, #tpu.memory_space<vmem>>, vector<1x8xi32>,
    %broadcast_in_dim3A_147 = arith.constant 0 : i32
    %broadcast_in_dim3A_148 = vector.broadcast %broadcast_in_dim3A_147 : i32 to vector<1x104xi32>
    %swap3A_149 = arith.constant 0 : index
    %swap3A_150 = arith.constant 24 : index
    %swap3A_151 = vector.load %arg10[%swap3A_149, %swap3A_150] : memref<1x128xi32, #tpu.memory_space<vmem>>, vector<1x104xi32>
    tpu.vector_store %arg10[%swap3A_149, %swap3A_150], %broadcast_in_dim3A_148 {strides = array<i32>} : memref<1x128xi32, #tpu.memory_space<vmem>>, vector<1x104xi32>,
    return
  }
}

module attributes {stable_mosaic.version = 14 : i64} {
  func.func @_ffn_body(%arg0: i32, %arg1: memref<1x128xi32, #tpu.memory_space<smem>>, %arg2: memref<1x128xi32, #tpu.memory_space<smem>>, %arg3: memref<256x1024xf32, #tpu.memory_space<vmem>>, %arg4: memref<8x4096x1024xf32, #tpu.memory_space<hbm>>, %arg5: memref<8x1x4096xf32, #tpu.memory_space<vmem>>, %arg6: memref<8x1024x4096xf32, #tpu.memory_space<hbm>>, %arg7: memref<8x1x1024xf32, #tpu.memory_space<vmem>>, %arg8: memref<256x1024xf32, #tpu.memory_space<vmem>>, %arg9: memref<4096x1024xf32, #tpu.memory_space<vmem>>, %arg10: memref<1024x4096xf32, #tpu.memory_space<vmem>>, %arg11: memref<4096x1024xbf16, #tpu.memory_space<vmem>>, %arg12: memref<1024x4096xbf16, #tpu.memory_space<vmem>>, %arg13: memref<!tpu.dma_semaphore, #tpu.memory_space<semaphore_mem>>, %arg14: memref<!tpu.dma_semaphore, #tpu.memory_space<semaphore_mem>>) attributes {dimension_semantics = [#tpu.dimension_semantics<arbitrary>], iteration_bounds = array<i64: 24>, scalar_prefetch = 0 : i64, scratch_operands = 6 : i64, tpu.core_type = #tpu.core_type<tc>, window_params = [{transform_indices = @transform_0, window_bounds = array<i64: 1, 128>}, {transform_indices = @transform_1, window_bounds = array<i64: 1, 128>}, {transform_indices = @transform_2, window_bounds = array<i64: 256, 1024>}, {}, {pipeline_mode = #tpu.pipeline_mode<synchronous>, transform_indices = @transform_4, window_bounds = array<i64: 8, 1, 4096>}, {}, {pipeline_mode = #tpu.pipeline_mode<synchronous>, transform_indices = @transform_6, window_bounds = array<i64: 8, 1, 1024>}, {transform_indices = @transform_7, window_bounds = array<i64: 256, 1024>}]} {
    %get3A = arith.constant 0 : index
    %get3A_0 = arith.constant 8 : index
    %get3A_1 = memref.load %arg2[%get3A, %get3A_0] : memref<1x128xi32, #tpu.memory_space<smem>>
    %get3A_2 = arith.constant 0 : index
    %get3A_3 = arith.index_cast %arg0 : i32 to index
    %get3A_4 = memref.load %arg1[%get3A_2, %get3A_3] : memref<1x128xi32, #tpu.memory_space<smem>>
    %sub3A = arith.constant 1 : i32
    %sub3A_5 = arith.subi %arg0, %sub3A : i32
    %max3A = arith.constant 0 : i32
    %max3A_6 = arith.maxsi %sub3A_5, %max3A : i32
    %get3A_7 = arith.constant 0 : index
    %get3A_8 = arith.index_cast %max3A_6 : i32 to index
    %get3A_9 = memref.load %arg1[%get3A_7, %get3A_8] : memref<1x128xi32, #tpu.memory_space<smem>>
    %eq3A = arith.constant 0 : i32
    %eq3A_10 = arith.cmpi eq, %arg0, %eq3A : i32
    %ne3A = arith.cmpi ne, %get3A_4, %get3A_9 : i32
    %or3A = arith.ori %eq3A_10, %ne3A : i1
    %lt3A = arith.cmpi slt, %arg0, %get3A_1 : i32
    %and3A = arith.andi %lt3A, %or3A : i1
    %convert_element_type3A = arith.extui %and3A : i1 to i32
    %cond3A = arith.constant 0 : i32
    %cond3A_11 = arith.cmpi ne, %convert_element_type3A, %cond3A : i32
    scf.if %cond3A_11 {
      %eq3A_16 = arith.constant 0 : i32
      %eq3A_17 = arith.cmpi eq, %arg0, %eq3A_16 : i32
      %convert_element_type3A_18 = arith.extui %eq3A_17 : i1 to i32
      %cond3A_19 = arith.constant 0 : i32
      %cond3A_20 = arith.cmpi ne, %convert_element_type3A_18, %cond3A_19 : i32
      scf.if %cond3A_20 {
        %dma_start3A = arith.constant 0 : i32
        %dma_start3A_49 = arith.constant 0 : i32
        %dma_start3A_50 = tpu.memref_slice %arg4[%get3A_4, %dma_start3A, %dma_start3A_49] : memref<8x4096x1024xf32, #tpu.memory_space<hbm>> -> memref<1x4096x1024xf32, #tpu.memory_space<hbm>>
        %dma_start3A_51 = tpu.memref_squeeze %dma_start3A_50 : memref<1x4096x1024xf32, #tpu.memory_space<hbm>> -> memref<4096x1024xf32, #tpu.memory_space<hbm>>
        tpu.enqueue_dma source(%dma_start3A_51 : memref<4096x1024xf32, #tpu.memory_space<hbm>>) target(%arg9 : memref<4096x1024xf32, #tpu.memory_space<vmem>>) target_semaphore(%arg13 : memref<!tpu.dma_semaphore, #tpu.memory_space<semaphore_mem>>)
        %dma_start3A_52 = arith.constant 0 : i32
        %dma_start3A_53 = arith.constant 0 : i32
        %dma_start3A_54 = tpu.memref_slice %arg6[%get3A_4, %dma_start3A_52, %dma_start3A_53] : memref<8x1024x4096xf32, #tpu.memory_space<hbm>> -> memref<1x1024x4096xf32, #tpu.memory_space<hbm>>
        %dma_start3A_55 = tpu.memref_squeeze %dma_start3A_54 : memref<1x1024x4096xf32, #tpu.memory_space<hbm>> -> memref<1024x4096xf32, #tpu.memory_space<hbm>>
        tpu.enqueue_dma source(%dma_start3A_55 : memref<1024x4096xf32, #tpu.memory_space<hbm>>) target(%arg10 : memref<1024x4096xf32, #tpu.memory_space<vmem>>) target_semaphore(%arg14 : memref<!tpu.dma_semaphore, #tpu.memory_space<semaphore_mem>>)
      } else {
      }
      %dma_wait3A = arith.constant 0 : i32
      %dma_wait3A_21 = arith.constant 0 : i32
      %dma_wait3A_22 = tpu.memref_slice %arg4[%get3A_4, %dma_wait3A, %dma_wait3A_21] : memref<8x4096x1024xf32, #tpu.memory_space<hbm>> -> memref<1x4096x1024xf32, #tpu.memory_space<hbm>>
      %dma_wait3A_23 = tpu.memref_squeeze %dma_wait3A_22 : memref<1x4096x1024xf32, #tpu.memory_space<hbm>> -> memref<4096x1024xf32, #tpu.memory_space<hbm>>
      tpu.wait_dma2 semaphore(%arg13 : memref<!tpu.dma_semaphore, #tpu.memory_space<semaphore_mem>>) src(%dma_wait3A_23 : memref<4096x1024xf32, #tpu.memory_space<hbm>>) dst(%arg9 : memref<4096x1024xf32, #tpu.memory_space<vmem>>)
      %get3A_24 = arith.constant 0 : index
      %get3A_25 = arith.constant 0 : index
      %get3A_26 = vector.load %arg9[%get3A_24, %get3A_25] : memref<4096x1024xf32, #tpu.memory_space<vmem>>, vector<4096x1024xf32>
      %convert_element_type3A_27 = arith.truncf %get3A_26 : vector<4096x1024xf32> to vector<4096x1024xbf16>
      %swap3A = arith.constant 0 : index
      %swap3A_28 = arith.constant 0 : index
      %swap3A_29 = vector.load %arg11[%swap3A, %swap3A_28] : memref<4096x1024xbf16, #tpu.memory_space<vmem>>, vector<4096x1024xbf16>
      tpu.vector_store %arg11[%swap3A, %swap3A_28], %convert_element_type3A_27 {strides = array<i32>} : memref<4096x1024xbf16, #tpu.memory_space<vmem>>, vector<4096x1024xbf16>,
      %dma_wait3A_30 = arith.constant 0 : i32
      %dma_wait3A_31 = arith.constant 0 : i32
      %dma_wait3A_32 = tpu.memref_slice %arg6[%get3A_4, %dma_wait3A_30, %dma_wait3A_31] : memref<8x1024x4096xf32, #tpu.memory_space<hbm>> -> memref<1x1024x4096xf32, #tpu.memory_space<hbm>>
      %dma_wait3A_33 = tpu.memref_squeeze %dma_wait3A_32 : memref<1x1024x4096xf32, #tpu.memory_space<hbm>> -> memref<1024x4096xf32, #tpu.memory_space<hbm>>
      tpu.wait_dma2 semaphore(%arg14 : memref<!tpu.dma_semaphore, #tpu.memory_space<semaphore_mem>>) src(%dma_wait3A_33 : memref<1024x4096xf32, #tpu.memory_space<hbm>>) dst(%arg10 : memref<1024x4096xf32, #tpu.memory_space<vmem>>)
      %get3A_34 = arith.constant 0 : index
      %get3A_35 = arith.constant 0 : index
      %get3A_36 = vector.load %arg10[%get3A_34, %get3A_35] : memref<1024x4096xf32, #tpu.memory_space<vmem>>, vector<1024x4096xf32>
      %convert_element_type3A_37 = arith.truncf %get3A_36 : vector<1024x4096xf32> to vector<1024x4096xbf16>
      %swap3A_38 = arith.constant 0 : index
      %swap3A_39 = arith.constant 0 : index
      %swap3A_40 = vector.load %arg12[%swap3A_38, %swap3A_39] : memref<1024x4096xbf16, #tpu.memory_space<vmem>>, vector<1024x4096xbf16>
      tpu.vector_store %arg12[%swap3A_38, %swap3A_39], %convert_element_type3A_37 {strides = array<i32>} : memref<1024x4096xbf16, #tpu.memory_space<vmem>>, vector<1024x4096xbf16>,
      %add3A = arith.constant 16 : i32
      %add3A_41 = arith.addi %add3A, %get3A_4 : i32
      %get3A_42 = arith.constant 0 : index
      %get3A_43 = arith.index_cast %add3A_41 : i32 to index
      %get3A_44 = memref.load %arg2[%get3A_42, %get3A_43] : memref<1x128xi32, #tpu.memory_space<smem>>
      %ne3A_45 = arith.cmpi ne, %get3A_44, %get3A_4 : i32
      %convert_element_type3A_46 = arith.extui %ne3A_45 : i1 to i32
      %cond3A_47 = arith.constant 0 : i32
      %cond3A_48 = arith.cmpi ne, %convert_element_type3A_46, %cond3A_47 : i32
      scf.if %cond3A_48 {
        %dma_start3A = arith.constant 0 : i32
        %dma_start3A_49 = arith.constant 0 : i32
        %dma_start3A_50 = tpu.memref_slice %arg4[%get3A_44, %dma_start3A, %dma_start3A_49] : memref<8x4096x1024xf32, #tpu.memory_space<hbm>> -> memref<1x4096x1024xf32, #tpu.memory_space<hbm>>
        %dma_start3A_51 = tpu.memref_squeeze %dma_start3A_50 : memref<1x4096x1024xf32, #tpu.memory_space<hbm>> -> memref<4096x1024xf32, #tpu.memory_space<hbm>>
        tpu.enqueue_dma source(%dma_start3A_51 : memref<4096x1024xf32, #tpu.memory_space<hbm>>) target(%arg9 : memref<4096x1024xf32, #tpu.memory_space<vmem>>) target_semaphore(%arg13 : memref<!tpu.dma_semaphore, #tpu.memory_space<semaphore_mem>>)
        %dma_start3A_52 = arith.constant 0 : i32
        %dma_start3A_53 = arith.constant 0 : i32
        %dma_start3A_54 = tpu.memref_slice %arg6[%get3A_44, %dma_start3A_52, %dma_start3A_53] : memref<8x1024x4096xf32, #tpu.memory_space<hbm>> -> memref<1x1024x4096xf32, #tpu.memory_space<hbm>>
        %dma_start3A_55 = tpu.memref_squeeze %dma_start3A_54 : memref<1x1024x4096xf32, #tpu.memory_space<hbm>> -> memref<1024x4096xf32, #tpu.memory_space<hbm>>
        tpu.enqueue_dma source(%dma_start3A_55 : memref<1024x4096xf32, #tpu.memory_space<hbm>>) target(%arg10 : memref<1024x4096xf32, #tpu.memory_space<vmem>>) target_semaphore(%arg14 : memref<!tpu.dma_semaphore, #tpu.memory_space<semaphore_mem>>)
      } else {
      }
    } else {
    }
    %lt3A_12 = arith.cmpi slt, %arg0, %get3A_1 : i32
    %convert_element_type3A_13 = arith.extui %lt3A_12 : i1 to i32
    %cond3A_14 = arith.constant 0 : i32
    %cond3A_15 = arith.cmpi ne, %convert_element_type3A_13, %cond3A_14 : i32
    scf.if %cond3A_15 {
      %get3A_16 = arith.constant 0 : index
      %get3A_17 = arith.constant 0 : index
      %get3A_18 = vector.load %arg3[%get3A_16, %get3A_17] : memref<256x1024xf32, #tpu.memory_space<vmem>>, vector<256x1024xf32>
      %convert_element_type3A_19 = arith.truncf %get3A_18 : vector<256x1024xf32> to vector<256x1024xbf16>
      %get3A_20 = arith.constant 0 : index
      %get3A_21 = arith.constant 0 : index
      %get3A_22 = vector.load %arg11[%get3A_20, %get3A_21] : memref<4096x1024xbf16, #tpu.memory_space<vmem>>, vector<2048x1024xbf16>
      %dot_general3A = arith.constant dense<0.000000e+00> : vector<256x2048xf32>
      %dot_general3A_23 = tpu.matmul %convert_element_type3A_19, %get3A_22, %dot_general3A {dimension_numbers = #tpu.dot_dimension_numbers<[1], [1], [0], [0], [0, 0, 1, 0], [], []>, transpose_lhs_hint = false} : vector<256x1024xbf16>, vector<2048x1024xbf16>, vector<256x2048xf32> -> vector<256x2048xf32>
      %get3A_24 = arith.index_cast %get3A_4 : i32 to index
      %get3A_25 = arith.constant 0 : index
      %get3A_26 = arith.constant 0 : index
      %get3A_27 = vector.load %arg5[%get3A_24, %get3A_25, %get3A_26] : memref<8x1x4096xf32, #tpu.memory_space<vmem>>, vector<1x1x2048xf32>
      %get3A_28 = vector.shape_cast %get3A_27 : vector<1x1x2048xf32> to vector<2048xf32>
      %reshape3A = vector.shape_cast %get3A_28 : vector<2048xf32> to vector<1x2048xf32>
      %add3A = vector.broadcast %reshape3A : vector<1x2048xf32> to vector<256x2048xf32>
      %add3A_29 = arith.addf %dot_general3A_23, %add3A : vector<256x2048xf32>
      %mul3A = arith.constant 5.000000e-01 : f32
      %mul3A_30 = vector.broadcast %mul3A : f32 to vector<256x2048xf32>
      %mul3A_31 = arith.mulf %mul3A_30, %add3A_29 : vector<256x2048xf32>
      %mul3A_32 = arith.constant 0.707106769 : f32
      %mul3A_33 = vector.broadcast %mul3A_32 : f32 to vector<256x2048xf32>
      %mul3A_34 = arith.mulf %add3A_29, %mul3A_33 : vector<256x2048xf32>
      %erf3A = math.erf %mul3A_34 : vector<256x2048xf32>
      %add3A_35 = arith.constant 1.000000e+00 : f32
      %add3A_36 = vector.broadcast %add3A_35 : f32 to vector<256x2048xf32>
      %add3A_37 = arith.addf %add3A_36, %erf3A : vector<256x2048xf32>
      %mul3A_38 = arith.mulf %mul3A_31, %add3A_37 : vector<256x2048xf32>
      %convert_element_type3A_39 = arith.truncf %mul3A_38 : vector<256x2048xf32> to vector<256x2048xbf16>
      %get3A_40 = arith.constant 0 : index
      %get3A_41 = arith.constant 0 : index
      %get3A_42 = vector.load %arg12[%get3A_40, %get3A_41] : memref<1024x4096xbf16, #tpu.memory_space<vmem>>, vector<1024x2048xbf16>
      %dot_general3A_43 = arith.constant dense<0.000000e+00> : vector<256x1024xf32>
      %dot_general3A_44 = tpu.matmul %convert_element_type3A_39, %get3A_42, %dot_general3A_43 {dimension_numbers = #tpu.dot_dimension_numbers<[1], [1], [0], [0], [0, 0, 1, 0], [], []>, transpose_lhs_hint = false} : vector<256x2048xbf16>, vector<1024x2048xbf16>, vector<256x1024xf32> -> vector<256x1024xf32>
      %get3A_45 = arith.constant 2048 : index
      %get3A_46 = arith.constant 0 : index
      %get3A_47 = vector.load %arg11[%get3A_45, %get3A_46] : memref<4096x1024xbf16, #tpu.memory_space<vmem>>, vector<2048x1024xbf16>
      %dot_general3A_48 = arith.constant dense<0.000000e+00> : vector<256x2048xf32>
      %dot_general3A_49 = tpu.matmul %convert_element_type3A_19, %get3A_47, %dot_general3A_48 {dimension_numbers = #tpu.dot_dimension_numbers<[1], [1], [0], [0], [0, 0, 1, 0], [], []>, transpose_lhs_hint = false} : vector<256x1024xbf16>, vector<2048x1024xbf16>, vector<256x2048xf32> -> vector<256x2048xf32>
      %get3A_50 = arith.index_cast %get3A_4 : i32 to index
      %get3A_51 = arith.constant 0 : index
      %get3A_52 = arith.constant 2048 : index
      %get3A_53 = vector.load %arg5[%get3A_50, %get3A_51, %get3A_52] : memref<8x1x4096xf32, #tpu.memory_space<vmem>>, vector<1x1x2048xf32>
      %get3A_54 = vector.shape_cast %get3A_53 : vector<1x1x2048xf32> to vector<2048xf32>
      %reshape3A_55 = vector.shape_cast %get3A_54 : vector<2048xf32> to vector<1x2048xf32>
      %add3A_56 = vector.broadcast %reshape3A_55 : vector<1x2048xf32> to vector<256x2048xf32>
      %add3A_57 = arith.addf %dot_general3A_49, %add3A_56 : vector<256x2048xf32>
      %mul3A_58 = arith.constant 5.000000e-01 : f32
      %mul3A_59 = vector.broadcast %mul3A_58 : f32 to vector<256x2048xf32>
      %mul3A_60 = arith.mulf %mul3A_59, %add3A_57 : vector<256x2048xf32>
      %mul3A_61 = arith.constant 0.707106769 : f32
      %mul3A_62 = vector.broadcast %mul3A_61 : f32 to vector<256x2048xf32>
      %mul3A_63 = arith.mulf %add3A_57, %mul3A_62 : vector<256x2048xf32>
      %erf3A_64 = math.erf %mul3A_63 : vector<256x2048xf32>
      %add3A_65 = arith.constant 1.000000e+00 : f32
      %add3A_66 = vector.broadcast %add3A_65 : f32 to vector<256x2048xf32>
      %add3A_67 = arith.addf %add3A_66, %erf3A_64 : vector<256x2048xf32>
      %mul3A_68 = arith.mulf %mul3A_60, %add3A_67 : vector<256x2048xf32>
      %convert_element_type3A_69 = arith.truncf %mul3A_68 : vector<256x2048xf32> to vector<256x2048xbf16>
      %get3A_70 = arith.constant 0 : index
      %get3A_71 = arith.constant 2048 : index
      %get3A_72 = vector.load %arg12[%get3A_70, %get3A_71] : memref<1024x4096xbf16, #tpu.memory_space<vmem>>, vector<1024x2048xbf16>
      %dot_general3A_73 = arith.constant dense<0.000000e+00> : vector<256x1024xf32>
      %dot_general3A_74 = tpu.matmul %convert_element_type3A_69, %get3A_72, %dot_general3A_73 {dimension_numbers = #tpu.dot_dimension_numbers<[1], [1], [0], [0], [0, 0, 1, 0], [], []>, transpose_lhs_hint = false} : vector<256x2048xbf16>, vector<1024x2048xbf16>, vector<256x1024xf32> -> vector<256x1024xf32>
      %add3A_75 = arith.addf %dot_general3A_44, %dot_general3A_74 : vector<256x1024xf32>
      %get3A_76 = arith.index_cast %get3A_4 : i32 to index
      %get3A_77 = arith.constant 0 : index
      %get3A_78 = arith.constant 0 : index
      %get3A_79 = vector.load %arg7[%get3A_76, %get3A_77, %get3A_78] : memref<8x1x1024xf32, #tpu.memory_space<vmem>>, vector<1x1x1024xf32>
      %get3A_80 = vector.shape_cast %get3A_79 : vector<1x1x1024xf32> to vector<1024xf32>
      %reshape3A_81 = vector.shape_cast %get3A_80 : vector<1024xf32> to vector<1x1024xf32>
      %add3A_82 = vector.broadcast %reshape3A_81 : vector<1x1024xf32> to vector<256x1024xf32>
      %add3A_83 = arith.addf %add3A_75, %add3A_82 : vector<256x1024xf32>
      %swap3A = arith.constant 0 : index
      %swap3A_84 = arith.constant 0 : index
      %swap3A_85 = vector.load %arg8[%swap3A, %swap3A_84] : memref<256x1024xf32, #tpu.memory_space<vmem>>, vector<256x1024xf32>
      tpu.vector_store %arg8[%swap3A, %swap3A_84], %add3A_83 {strides = array<i32>} : memref<256x1024xf32, #tpu.memory_space<vmem>>, vector<256x1024xf32>,
    } else {
    }
    return
  }
  func.func @transform_0(%arg0: i32) -> (i32, i32) {
    %c0_i32 = arith.constant 0 : i32
    %c0_i32_0 = arith.constant 0 : i32
    %c0_i32_1 = arith.constant 0 : i32
    return %c0_i32, %c0_i32_0 : i32, i32
  }
  func.func @transform_1(%arg0: i32) -> (i32, i32) {
    %c0_i32 = arith.constant 0 : i32
    %c0_i32_0 = arith.constant 0 : i32
    %c0_i32_1 = arith.constant 0 : i32
    return %c0_i32, %c0_i32_0 : i32, i32
  }
  func.func @transform_2(%arg0: i32) -> (i32, i32) {
    %c0_i32 = arith.constant 0 : i32
    %c0_i32_0 = arith.constant 0 : i32
    return %arg0, %c0_i32 : i32, i32
  }
  func.func @transform_4(%arg0: i32) -> (i32, i32, i32) {
    %c0_i32 = arith.constant 0 : i32
    %c0_i32_0 = arith.constant 0 : i32
    %c0_i32_1 = arith.constant 0 : i32
    %c0_i32_2 = arith.constant 0 : i32
    return %c0_i32, %c0_i32_0, %c0_i32_1 : i32, i32, i32
  }
  func.func @transform_6(%arg0: i32) -> (i32, i32, i32) {
    %c0_i32 = arith.constant 0 : i32
    %c0_i32_0 = arith.constant 0 : i32
    %c0_i32_1 = arith.constant 0 : i32
    %c0_i32_2 = arith.constant 0 : i32
    return %c0_i32, %c0_i32_0, %c0_i32_1 : i32, i32, i32
  }
  func.func @transform_7(%arg0: i32) -> (i32, i32) {
    %c0_i32 = arith.constant 0 : i32
    %c0_i32_0 = arith.constant 0 : i32
    return %arg0, %c0_i32 : i32, i32
  }
}

module attributes {stable_mosaic.version = 14 : i64} {
  func.func @_ln_body(%arg0: i32, %arg1: memref<256x1024xf32, #tpu.memory_space<vmem>>, %arg2: memref<256x1024xf32, #tpu.memory_space<vmem>>, %arg3: memref<256x1024xf32, #tpu.memory_space<vmem>>, %arg4: memref<256x1xf32, #tpu.memory_space<vmem>>, %arg5: memref<256x1xf32, #tpu.memory_space<vmem>>, %arg6: memref<1x1024xf32, #tpu.memory_space<vmem>>, %arg7: memref<1x1024xf32, #tpu.memory_space<vmem>>, %arg8: memref<256x1024xf32, #tpu.memory_space<vmem>>) attributes {dimension_semantics = [#tpu.dimension_semantics<arbitrary>], iteration_bounds = array<i64: 8>, scalar_prefetch = 0 : i64, scratch_operands = 0 : i64, tpu.core_type = #tpu.core_type<tc>, window_params = [{transform_indices = @transform_0, window_bounds = array<i64: 256, 1024>}, {transform_indices = @transform_1, window_bounds = array<i64: 256, 1024>}, {transform_indices = @transform_2, window_bounds = array<i64: 256, 1024>}, {transform_indices = @transform_3, window_bounds = array<i64: 256, 1>}, {transform_indices = @transform_4, window_bounds = array<i64: 256, 1>}, {pipeline_mode = #tpu.pipeline_mode<synchronous>, transform_indices = @transform_5, window_bounds = array<i64: 1, 1024>}, {pipeline_mode = #tpu.pipeline_mode<synchronous>, transform_indices = @transform_6, window_bounds = array<i64: 1, 1024>}, {transform_indices = @transform_7, window_bounds = array<i64: 256, 1024>}]} {
    %get3A = arith.constant 0 : index
    %get3A_0 = arith.constant 0 : index
    %get3A_1 = vector.load %arg1[%get3A, %get3A_0] : memref<256x1024xf32, #tpu.memory_space<vmem>>, vector<256x1024xf32>
    %get3A_2 = arith.constant 0 : index
    %get3A_3 = arith.constant 0 : index
    %get3A_4 = vector.load %arg4[%get3A_2, %get3A_3] : memref<256x1xf32, #tpu.memory_space<vmem>>, vector<256x1xf32>
    %get3A_5 = arith.constant 0 : index
    %get3A_6 = arith.constant 0 : index
    %get3A_7 = vector.load %arg2[%get3A_5, %get3A_6] : memref<256x1024xf32, #tpu.memory_space<vmem>>, vector<256x1024xf32>
    %mul3A = vector.broadcast %get3A_4 : vector<256x1xf32> to vector<256x1024xf32>
    %mul3A_8 = arith.mulf %mul3A, %get3A_7 : vector<256x1024xf32>
    %add3A = arith.addf %get3A_1, %mul3A_8 : vector<256x1024xf32>
    %get3A_9 = arith.constant 0 : index
    %get3A_10 = arith.constant 0 : index
    %get3A_11 = vector.load %arg5[%get3A_9, %get3A_10] : memref<256x1xf32, #tpu.memory_space<vmem>>, vector<256x1xf32>
    %get3A_12 = arith.constant 0 : index
    %get3A_13 = arith.constant 0 : index
    %get3A_14 = vector.load %arg3[%get3A_12, %get3A_13] : memref<256x1024xf32, #tpu.memory_space<vmem>>, vector<256x1024xf32>
    %mul3A_15 = vector.broadcast %get3A_11 : vector<256x1xf32> to vector<256x1024xf32>
    %mul3A_16 = arith.mulf %mul3A_15, %get3A_14 : vector<256x1024xf32>
    %add3A_17 = arith.addf %add3A, %mul3A_16 : vector<256x1024xf32>
    %reduce_sum3A = arith.constant dense<0.000000e+00> : vector<256xf32>
    %reduce_sum3A_18 = vector.multi_reduction <add>, %add3A_17, %reduce_sum3A [1] : vector<256x1024xf32> to vector<256xf32>
    %broadcast_in_dim3A = vector.shape_cast %reduce_sum3A_18 : vector<256xf32> to vector<256x1xf32>
    %div3A = arith.constant 1.024000e+03 : f32
    %div3A_19 = vector.broadcast %div3A : f32 to vector<256x1xf32>
    %div3A_20 = arith.divf %broadcast_in_dim3A, %div3A_19 : vector<256x1xf32>
    %sub3A = vector.broadcast %div3A_20 : vector<256x1xf32> to vector<256x1024xf32>
    %sub3A_21 = arith.subf %add3A_17, %sub3A : vector<256x1024xf32>
    %mul3A_22 = arith.mulf %sub3A_21, %sub3A_21 : vector<256x1024xf32>
    %reduce_sum3A_23 = arith.constant dense<0.000000e+00> : vector<256xf32>
    %reduce_sum3A_24 = vector.multi_reduction <add>, %mul3A_22, %reduce_sum3A_23 [1] : vector<256x1024xf32> to vector<256xf32>
    %broadcast_in_dim3A_25 = vector.shape_cast %reduce_sum3A_24 : vector<256xf32> to vector<256x1xf32>
    %div3A_26 = arith.constant 1.024000e+03 : f32
    %div3A_27 = vector.broadcast %div3A_26 : f32 to vector<256x1xf32>
    %div3A_28 = arith.divf %broadcast_in_dim3A_25, %div3A_27 : vector<256x1xf32>
    %add3A_29 = arith.constant 9.99999996E-13 : f32
    %add3A_30 = vector.broadcast %add3A_29 : f32 to vector<256x1xf32>
    %add3A_31 = arith.addf %div3A_28, %add3A_30 : vector<256x1xf32>
    %sqrt3A = math.sqrt %add3A_31 : vector<256x1xf32>
    %div3A_32 = vector.broadcast %sqrt3A : vector<256x1xf32> to vector<256x1024xf32>
    %div3A_33 = arith.divf %sub3A_21, %div3A_32 : vector<256x1024xf32>
    %get3A_34 = arith.constant 0 : index
    %get3A_35 = arith.constant 0 : index
    %get3A_36 = vector.load %arg6[%get3A_34, %get3A_35] : memref<1x1024xf32, #tpu.memory_space<vmem>>, vector<1x1024xf32>
    %mul3A_37 = vector.broadcast %get3A_36 : vector<1x1024xf32> to vector<256x1024xf32>
    %mul3A_38 = arith.mulf %div3A_33, %mul3A_37 : vector<256x1024xf32>
    %get3A_39 = arith.constant 0 : index
    %get3A_40 = arith.constant 0 : index
    %get3A_41 = vector.load %arg7[%get3A_39, %get3A_40] : memref<1x1024xf32, #tpu.memory_space<vmem>>, vector<1x1024xf32>
    %add3A_42 = vector.broadcast %get3A_41 : vector<1x1024xf32> to vector<256x1024xf32>
    %add3A_43 = arith.addf %mul3A_38, %add3A_42 : vector<256x1024xf32>
    %swap3A = arith.constant 0 : index
    %swap3A_44 = arith.constant 0 : index
    %swap3A_45 = vector.load %arg8[%swap3A, %swap3A_44] : memref<256x1024xf32, #tpu.memory_space<vmem>>, vector<256x1024xf32>
    tpu.vector_store %arg8[%swap3A, %swap3A_44], %add3A_43 {strides = array<i32>} : memref<256x1024xf32, #tpu.memory_space<vmem>>, vector<256x1024xf32>,
    return
  }
  func.func @transform_0(%arg0: i32) -> (i32, i32) {
    %c0_i32 = arith.constant 0 : i32
    %c0_i32_0 = arith.constant 0 : i32
    return %arg0, %c0_i32 : i32, i32
  }
  func.func @transform_1(%arg0: i32) -> (i32, i32) {
    %c0_i32 = arith.constant 0 : i32
    %c0_i32_0 = arith.constant 0 : i32
    return %arg0, %c0_i32 : i32, i32
  }
  func.func @transform_2(%arg0: i32) -> (i32, i32) {
    %c0_i32 = arith.constant 0 : i32
    %c0_i32_0 = arith.constant 0 : i32
    return %arg0, %c0_i32 : i32, i32
  }
  func.func @transform_3(%arg0: i32) -> (i32, i32) {
    %c0_i32 = arith.constant 0 : i32
    %c0_i32_0 = arith.constant 0 : i32
    return %arg0, %c0_i32 : i32, i32
  }
  func.func @transform_4(%arg0: i32) -> (i32, i32) {
    %c0_i32 = arith.constant 0 : i32
    %c0_i32_0 = arith.constant 0 : i32
    return %arg0, %c0_i32 : i32, i32
  }
  func.func @transform_5(%arg0: i32) -> (i32, i32) {
    %c0_i32 = arith.constant 0 : i32
    %c0_i32_0 = arith.constant 0 : i32
    %c0_i32_1 = arith.constant 0 : i32
    return %c0_i32, %c0_i32_0 : i32, i32
  }
  func.func @transform_6(%arg0: i32) -> (i32, i32) {
    %c0_i32 = arith.constant 0 : i32
    %c0_i32_0 = arith.constant 0 : i32
    %c0_i32_1 = arith.constant 0 : i32
    return %c0_i32, %c0_i32_0 : i32, i32
  }
  func.func @transform_7(%arg0: i32) -> (i32, i32) {
    %c0_i32 = arith.constant 0 : i32
    %c0_i32_0 = arith.constant 0 : i32
    return %arg0, %c0_i32 : i32, i32
  }
}

</mosaic_0001>

<sc_bundles>
// kernel: kernel.10.cloned.1.call-start
scs
__scs_entry_jumppad:
0x0: {  	(pc) =	sbr.rel $0x88, $3  }
0x1: {  	(tag) =	ssettag $0x0;
	lr =	simm.s32 $0x1  }
0x2: {  	[smem:$0x3F98] =	sst lr;
	_ =	strace $0xD0000000  }
0x3: {  	_ = 	snop  }
0x4: {  	_ = 	snop  }
0x5: {  	_ = 	snop  }
0x6: {  	_ = 	snop  }
0x7: {  	_ = 	snop  }
__scs_overlays_trampoline_lowered:
0x8: {  	[smem:$0x3FA7] =	sst s0  }
0x9: {  	[smem:$0x3FA8] =	sst s1  }
0xa: {  	[smem:$0x3FA9] =	sst s2  }
0xb: {  	[smem:$0x3FAA] =	sst s3  }
0xc: {  	[smem:$0x3FAB] =	sst s4  }
0xd: {  	[smem:$0x3FAC] =	sst s5  }
0xe: {  	[smem:$0x3FAD] =	sst s6  }
0xf: {  	[smem:$0x3FAE] =	sst s7  }
0x10: {  	[smem:$0x3FAF] =	sst s8  }
0x11: {  	[smem:$0x3FB0] =	sst s9;
	s0 =	simm.s32 @!p0 $0x0  }
0x12: {  	s1 =	sld [smem:$0x3F96];
	s0 =	simm.s32 @p0 $0x1  }
0x13: {  	[smem:$0x3FB1] =	sst s0;
	s0 =	simm.s32 @!p1 $0x0  }
0x14: {  	s2 =	sld [smem:$0x3F95];
	s0 =	simm.s32 @p1 $0x1  }
0x15: {  	[smem:$0x3FB2] =	sst s0;
	s0 =	simm.s32 @!p2 $0x0  }
0x16: {  	s3 =	sld [smem:$0x3FDB];
	s0 =	simm.s32 @p2 $0x1  }
0x17: {  	s4 =	simm.s32 $0x1BF5;
	[smem:$0x3FB4] =	sst s0  }
0x18: {  	s0 =	sld [smem:$0x3F97];
	_ =	swait.ge [sflag:s4], $0x0  }
0x19: {  	s7 =	sld [smem:$0x3F98]  }
0x1a: {  	s8 =	sadd.s32 $0xFFFFE003, lr  }
0x1b: {  	s9 =	sadd.s32 $0xFFFFFEF7, lr;
	s5 =	simm.s32 $0xFFFFFFFF;
	p2 =	slt.u32 s8, $0xFFFFF086  }
0x1c: {  	p1 =	slt.u32 s9, $0xF7A;
	s5 =	simm.s32 @!p2 $0x0  }
0x1d: {  	s5 =	simm.s32 @p1 $0x1;
	p0 =	seq.s32 s7, s2  }
0x1e: {  	s7 =	smul.u32 @!p0 $0xF7A, s2;
	p2 =	seq.s32 @!p0 s5, $0x0  }
0x1f: {  	s9 =	smul.u32 $0xF7A, s1;
	s8 =	simm.s32 @!p0 $0x1BF5;
	p2 =	por !p2, p0  }
0x20: {  	[sflag:s8] =	ssyncset.s32 @!p0 $0xFFFFF086;
	s6 =	sadd.s32 @!p0 s3, s7;
	s7 =	simm.s32 @!p0 $0x108  }
0x21: {  	s3 =	sadd.s32 s3, s9;
	s6 =	sadd.s32 @!p0 $0x88, s6;
	s7 =	simm.s32 @p2 $0x1082  }
0x22: {  	[simem:s7], [sflag:s8] =	dma.local @!p0 [hbm:s6], $0xF7A  }
0x23: {  	s9 =	sor.u32 $0xD0000000, s2;
	s6 =	simm.s32 $0x108;
	_ =	swait.ge @!p0 [sflag:s8], $0x0  }
0x24: {  	s3 =	sadd.s32 $0x88, s3;
	s6 =	simm.s32 @!p1 $0x1082;
	[sflag:s4] =	ssyncset.s32 $0xFFFFF086  }
0x25: {  	[simem:s6], [sflag:s4] =	dma.local [hbm:s3], $0xF7A  }
0x26: {  	[smem:$0x3F98] =	sst s1;
	(tag) =	ssettag s2;
	_ =	strace s9  }
0x27: {  	s1 =	sld [smem:$0x3FA8]  }
0x28: {  	s2 =	sld [smem:$0x3FA9]  }
0x29: {  	s4 =	sld [smem:$0x3FAB]  }
0x2a: {  	p0 =	seq.s32 s5, $0x0;
	s5 =	sld [smem:$0x3FAC]  }
0x2b: {  	s6 =	sld [smem:$0x3FAD]  }
0x2c: {  	s7 =	sld [smem:$0x3FAE]  }
0x2d: {  	s3 =	simm.s32 $0x108;
	s8 =	sld [smem:$0x3FAF]  }
0x2e: {  	s3 =	simm.s32 @!p0 $0x1082;
	s9 =	sld [smem:$0x3FB0]  }
0x2f: {  	lr =	sadd.s32 s0, s3;
	s0 =	sld [smem:$0x3FA7]  }
0x30: {  	s3 =	sld [smem:$0x3FAA]  }
0x31: {  	[smem:$0x3FB3] =	sst s10  }
0x32: {  	s10 =	sld [smem:$0x3FB1];
	_ =	sdelay $0x3  }
0x33: {  	p0 =	seq.s32 s10, $0x1;
	s10 =	sld [smem:$0x3FB3];
	_ =	sdelay $0x3  }
0x34: {  	[smem:$0x3FB3] =	sst s10  }
0x35: {  	s10 =	sld [smem:$0x3FB2];
	_ =	sdelay $0x3  }
0x36: {  	p1 =	seq.s32 s10, $0x1;
	s10 =	sld [smem:$0x3FB3];
	_ =	sdelay $0x3  }
0x37: {  	[smem:$0x3FB3] =	sst s10  }
0x38: {  	s10 =	sld [smem:$0x3FB4]  }
0x39: {  	_ = 	snop;
	(pc) =	sbr.ind lr, $3  }
0x3a: {  	_ = 	snop  }
0x3b: {  	_ = 	snop  }
0x3c: {  	p2 =	seq.s32 s10, $0x1;
	s10 =	sld [smem:$0x3FB3]  }
0x3d: {  	_ =	shalt  }
0x3e: {  	_ =	shalt  }
0x3f: {  	_ =	shalt  }
0x40: {  	_ =	shalt  }
0x41: {  	_ =	shalt  }
0x42: {  	_ =	shalt  }
0x43: {  	_ =	shalt  }
0x44: {  	_ =	shalt  }
0x45: {  	_ =	shalt  }
0x46: {  	_ =	shalt  }
0x47: {  	_ =	shalt  }
0x48: {  	_ =	shalt  }
0x49: {  	_ =	shalt  }
0x4a: {  	_ =	shalt  }
0x4b: {  	_ =	shalt  }
0x4c: {  	_ =	shalt  }
0x4d: {  	_ =	shalt  }
0x4e: {  	_ =	shalt  }
0x4f: {  	_ =	shalt  }
0x50: {  	_ =	shalt  }
0x51: {  	_ =	shalt  }
0x52: {  	_ =	shalt  }
0x53: {  	_ =	shalt  }
0x54: {  	_ =	shalt  }
0x55: {  	_ =	shalt  }
0x56: {  	_ =	shalt  }
0x57: {  	_ =	shalt  }
0x58: {  	_ =	shalt  }
0x59: {  	_ =	shalt  }
0x5a: {  	_ =	shalt  }
0x5b: {  	_ =	shalt  }
0x5c: {  	_ =	shalt  }
0x5d: {  	_ =	shalt  }
0x5e: {  	_ =	shalt  }
0x5f: {  	_ =	shalt  }
0x60: {  	_ =	shalt  }
0x61: {  	_ =	shalt  }
0x62: {  	_ =	shalt  }
0x63: {  	_ =	shalt  }
0x64: {  	_ =	shalt  }
0x65: {  	_ =	shalt  }
0x66: {  	_ =	shalt  }
0x67: {  	_ =	shalt  }
0x68: {  	_ =	shalt  }
0x69: {  	_ =	shalt  }
0x6a: {  	_ =	shalt  }
0x6b: {  	_ =	shalt  }
0x6c: {  	_ =	shalt  }
0x6d: {  	_ =	shalt  }
0x6e: {  	_ =	shalt  }
0x6f: {  	_ =	shalt  }
0x70: {  	_ =	shalt  }
0x71: {  	_ =	shalt  }
0x72: {  	_ =	shalt  }
0x73: {  	_ =	shalt  }
0x74: {  	_ =	shalt  }
0x75: {  	_ =	shalt  }
0x76: {  	_ =	shalt  }
0x77: {  	_ =	shalt  }
0x78: {  	_ =	shalt  }
0x79: {  	_ =	shalt  }
0x7a: {  	_ =	shalt  }
0x7b: {  	_ =	shalt  }
0x7c: {  	_ =	shalt  }
0x7d: {  	_ =	shalt  }
0x7e: {  	_ =	shalt  }
0x7f: {  	_ =	shalt  }
0x80: {  	_ =	shalt  }
0x81: {  	_ =	shalt  }
0x82: {  	_ =	shalt  }
0x83: {  	_ =	shalt  }
0x84: {  	_ =	shalt  }
0x85: {  	_ =	shalt  }
0x86: {  	_ =	shalt  }
0x87: {  	_ =	shalt  }
.Lfunc_end0:
.L_simem_size_0:
called_computation.1_lowered:
.L_overlay_start_0:
0x88: {  	s2 =	sld [smem:$0x3FD9]  }
0x89: {  	s3 =	sld [smem:$0x3FFE];
	_ =	sdelay $0x1  }
0x8a: {  	s1 =	srdreg.scid  }
0x8b: {  	s0 =	sand.u32 $0x1, s1  }
0x8c: {  	s17 =	sshll.u32 s0, $0xA;
	s2 =	sadd.s32 s3, s2  }
0x8d: {  	s2 =	sadd.s32 s2, s17  }
0x8e: {  	[smem:$0x3FBF] =	sst s2  }
0x8f: {  	_ = 	snop  }
0x90: {  	s2 =	sld [smem:$0x3FD0];
	(tm) =	ssettm $0x1  }
0x91: {  	s18 =	sld [smem:$0x3FFB];
	_ =	sdelay $0x3  }
0x92: {  	_ =	strace s18  }
0x93: {  	s3 =	sld [smem:$0x3FFC];
	_ =	sdelay $0x3  }
0x94: {  	_ =	strace s3  }
0x95: {  	s3 =	sld [smem:$0x3FFD];
	_ =	sdelay $0x3  }
0x96: {  	_ =	strace s3  }
0x97: {  	_ =	strace $0x8FFFFFFF  }
0x98: {  	s19 =	sld [smem:$0x3FDB];
	_ =	sdelay $0x1  }
0x99: {  	s4 =	simm.s32 $_scs_section_size  }
0x9a: {  	s5 =	simm.s32 $_size__tile_overlayer_lowered;
	s6 =	simm.s32 $_tile_overlayer_lowered  }
0x9b: {  	s22 =	simm.s32 $0x1BFF;
	s21 =	sshll.u32 s6, $0x1;
	s3 =	sadd.s32 s4, s19  }
0x9c: {  	s7 =	simm.s32 $0x0;
	s20 =	sshll.u32 s5, $0x1;
	s5 =	sadd.s32 s21, s3  }
0x9d: {  	[timem:s7], [sflag:s22] =	dma.local [hbm:s5], s20  }
0x9e: {  	_ =	swait.ge [sflag:s22], s20  }
0x9f: {  	s4 =	ssub.s32 $0x0, s20;
	[sflag:s22] =	ssyncset.done $0x0  }
0xa0: {  	[sflag:s22] =	ssyncadd.s32 s4;
	_ =	sdelay $0x1  }
0xa1: {  	s23 =	simm.s32 $0x1B8B  }
0xa2: {  	_ =	swait.ge [sflag:s23], $0x1  }
0xa3: {  	[sflag:s23] =	ssyncset.done $0x0  }
0xa4: {  	s25 =	simm.s32 $0x1B8E;
	s24 =	sld [smem:$0x3FFE];
	[sflag:s23] =	ssyncadd.s32 $0xFFFFFFFF  }
0xa5: {  	s26 =	simm.s32 $execute0_lowered;
	[smem:$0x3FD2] =	sst s25  }
0xa6: {  	s5 =	sshll.u32 s26, $0x1;
	_ =	strace $0x80000049;
	[dreg:$0x1] =	wrdreg $0xFFFFFFFF  }
0xa7: {  	s28 =	simm.s32 $_size_execute0_lowered;
	s3 =	sadd.s32 s3, s5;
	[dreg:$0x0] =	wrdreg $0x0  }
0xa8: {  	s5 =	sshll.u32 s28, $0x1;
	[dreg:$0x2] =	wrdreg s3  }
0xa9: {  	[dreg:$0x3] =	wrdreg s5  }
0xaa: {  	[dreg:$0x4] =	wrdreg $0xC0  }
0xab: {  	_ =	task [dreg:s7], $0x5FFFF  }
0xac: {  	[dreg:$0x1] =	wrdreg $0xFFFFFFFF  }
0xad: {  	[dreg:$0x0] =	wrdreg $0x60  }
0xae: {  	[dreg:$0x2] =	wrdreg s24  }
0xaf: {  	[dreg:$0x3] =	wrdreg s2  }
0xb0: {  	[dreg:$0x4] =	wrdreg $0x9  }
0xb1: {  	_ =	task.clear_ibuf [dreg:s7], $0x5FFFF;
	_ =	strace $0x90000049  }
0xb2: {  	s29 =	simm.s32 $0x9;
	_ =	strace $0x8000004B  }
0xb3: {  	_ =	swait.ge [sflag:s29], $0x1  }
0xb4: {  	[sflag:s29] =	ssyncadd.s32 $0xFFFFFFFF  }
0xb5: {  	_ =	strace $0x9000004B  }
0xb6: {  	_ =	sfence  }
0xb7: {  	s30 =	sld [smem:$0x0];
	_ =	sdelay $0x2  }
0xb8: {  	s31 =	sshll.u32 s1, $0xD;
	s1 =	sshrl.u32 s1, $0x2  }
0xb9: {  	s3 =	sand.u32 $0x4000, s31;
	s1 =	sadd.s32 s1, s30  }
0xba: {  	s0 =	sor.u32 s3, s0;
	s1 =	sshll.u32 s1, $0x11  }
0xbb: {  	s0 =	sor.u32 s1, s0  }
0xbc: {  	s0 =	sadd.s32 $0x8F2B, s0  }
0xbd: {  	[sflag:s0] =	ssyncadd.remote.s32 $0x1  }
0xbe: {  	_ =	sfence.sel $0xFFFF  }
0xbf: {  	[dreg:$0x0] =	wrdreg $0xFFFFFFFF;
	(pc) =	sbr.abs _section_cstart, $3  }
0xc0: {  	[dreg:$0x1] =	wrdreg $0xFFFFFFFF  }
0xc1: {  	_ =	task.clear_ibuf [dreg:s7], $0x2FFFF;
	_ =	strace $0x9FFFFFFF  }
0xc2: {  	(tm) =	ssettm $0x7FFFFFFF  }
0xc3: {  	_ =	shalt  }
tec
execute0_lowered:
.L_overlay_start_1:
0x0: {  	(tag) =	ssettag $0x1  }
0x1: {  	s0 =	srdreg.scid;
	s1 =	rddreg [dreg:$0x0]  }
0x2: {  	s2 =	stileid.u32;
	s4 =	rddreg [dreg:$0x1]  }
0x3: {  	s25 =	simm.s32 $0x10000;
	s26 =	simm.s32 $0x10080;
	s11 =	simm.s32 $0x1  }
0x4: {  	s17 =	simm.s32 $0x2;
	s20 =	simm.s32 $0x1000;
	s21 =	simm.s32 $0x1800  }
0x5: {  	s28 =	simm.s32 $0x4000;
	s29 =	simm.s32 $0x4800;
	s30 =	simm.s32 $0x5000  }
0x6: {  	s31 =	simm.s32 $0x5800;
	s10 =	simm.s32 $0x7800;
	s16 =	simm.s32 $0x8000  }
0x7: {  	s13 =	simm.s32 $0x9800;
	s14 =	simm.s32 $0xA000;
	s15 =	simm.s32 $0xA800  }
0x8: {  	s0 =	sand.u32 $0x1, s0;
	s3 =	sshll.u32 s2, $0x7;
	s2 =	simm.s32 $0x0  }
0x9: {  	s7 =	sadd.s32 $0x29000, s1;
	s5 =	sshll.u32 s0, $0x6;
	[smem:$0x7FF] =	sst s2  }
0xa: {  	s0 =	ssub.s32 $0x2, s0;
	s5 =	sor.u32 s5, s3;
	_ =	strace $0x8000004A  }
0xb: {  	s3 =	sadd.s32 $0xE9400, s1;
	s9 =	sshrl.u32 s0, $0x1;
	[dreg:$0x9] =	wrdreg s25  }
0xc: {  	[dreg:$0xa] =	wrdreg s26;
	s25 =	simm.s32 $0x3000;
	s26 =	simm.s32 $0x3800  }
0xd: {  	s6 =	sshrl.u32 s5, $0x3;
	s5 =	sshll.u32 s5, $0x7;
	s0 =	ssub.s32 s0, s9  }
0xe: {  	s9 =	simm.s32 $0x7000;
	s6 =	sadd.s32 s6, s1;
	s22 =	sadd.s32 s4, s5  }
0xf: {  	s23 =	sor.u32 $0x1000, s5;
	s5 =	sadd.s32 s7, s5;
	[dreg:$0x5] =	wrdreg s22  }
0x10: {  	s8 =	sadd.s32 $0x1000, s6;
	s6 =	sadd.s32 $0x1200, s6;
	[dreg:$0x7] =	wrdreg s5  }
0x11: {  	s4 =	sadd.s32 s4, s23;
	s24 =	sadd.s32 s7, s23;
	[dreg:$0x3] =	wrdreg s8  }
0x12: {  	s5 =	sadd.s32 $0xE9600, s1;
	s7 =	smax.u32 s0, $0x1;
	[dreg:$0x4] =	wrdreg s6  }
0x13: {  	v2 =	vlaneseq.u32;
	s22 =	simm.s32 $0x2000;
	s23 =	simm.s32 $0x2800;
	[dreg:$0x6] =	wrdreg s4  }
0x14: {  	vm0 =	vmmov $0xffff;
	v1 =	vshrl.u32 v2, $0x3;
	s4 =	sadd.s32 $0xE9500, s1;
	[dreg:$0x8] =	wrdreg s24;
	s6 =	sadd.s32 $0xE9700, s1  }
0x15: {  	v0 =	vand.u32 $0x7, v2;
	v2 =	vor.u32 $0x8, v2;
	v1 =	vmul.u32 $0x8, v1;
	s8 =	simm.s32 $0x3;
	s1 =	simm.s32 $0x6000;
	s24 =	simm.s32 $0xB000  }
.LBB2_1:
0x16: {  	s18 =	rddreg [dreg:$0x3]  }
0x17: {  	s19 =	rddreg [dreg:$0x9]  }
0x18: {  	[tilespmem:s19], [sflag:$0x3] =	stream.linear.gather [hbm4b:s18+s2], $0x40, $0x38;
	[tilespmem:$0x10100] =	vst v63  }
0x19: {  	_ =	swait.ge [sflag:s8], $0x40  }
0x1a: {  	s0 =	rddreg [dreg:$0x4];
	[sflag:s8] =	ssyncset.done $0x0  }
0x1b: {  	s12 =	rddreg [dreg:$0xa];
	[sflag:s8] =	ssyncadd.s32 $0xFFFFFFC0  }
0x1c: {  	[tilespmem:s12], [sflag:$0x3] =	stream.linear.gather [hbm4b:s0+s2], $0x40, $0x38;
	[tilespmem:$0x10100] =	vst v63  }
0x1d: {  	_ =	swait.ge [sflag:s8], $0x40  }
0x1e: {  	[sflag:s8] =	ssyncset.done $0x0  }
0x1f: {  	[sflag:s8] =	ssyncadd.s32 $0xFFFFFFC0  }
0x20: {  	v3 =	vld [tilespmem:$0x10000];
	_ =	sdelay $0x4  }
0x21: {  	v4 =	vshll.u32 v3, $0x3  }
0x22: {  	v3 =	vand.u32 $0x7, v3;
	v4 =	vand.u32 $0xFFFFFFC0, v4  }
0x23: {  	v3 =	vor.u32 v3, v4  }
0x24: {  	v4 =	vperm.xlane v3, v0;
	_ =	sdelay $0x1  }
0x25: {  	v4 =	vadd.s32 v1, v4;
	_ =	sdelay $0x4  }
0x26: {  	[tilespmem:s2], [sflag:$0x1] =	stream.indirect_vreg.gather [hbm4b:s3+s2], $0x80, v4, vm0, $0xb8;
	[tilespmem:$0x10100] =	vst v63  }
0x27: {  	s19 =	simm.s32 $0x800;
	v3 =	vperm.xlane v3, v2  }
0x28: {  	[tilespmem:s19], [sflag:$0x1] =	stream.indirect_vreg.gather [hbm4b:s4+s2], $0x80, v4, vm0, $0xb8;
	[tilespmem:$0x10100] =	vst v63  }
0x29: {  	v3 =	vadd.s32 v1, v3  }
0x2a: {  	[tilespmem:s20], [sflag:$0x1] =	stream.indirect_vreg.gather [hbm4b:s5+s2], $0x80, v4, vm0, $0xb8;
	[tilespmem:$0x10100] =	vst v63  }
0x2b: {  	_ = 	snop  }
0x2c: {  	[tilespmem:s21], [sflag:$0x1] =	stream.indirect_vreg.gather [hbm4b:s6+s2], $0x80, v4, vm0, $0xb8;
	[tilespmem:$0x10100] =	vst v63  }
0x2d: {  	_ = 	snop  }
0x2e: {  	[tilespmem:s22], [sflag:$0x1] =	stream.indirect_vreg.gather [hbm4b:s3+s2], $0x80, v3, vm0, $0xb8;
	[tilespmem:$0x10100] =	vst v63  }
0x2f: {  	_ = 	snop  }
0x30: {  	[tilespmem:s23], [sflag:$0x1] =	stream.indirect_vreg.gather [hbm4b:s4+s2], $0x80, v3, vm0, $0xb8;
	[tilespmem:$0x10100] =	vst v63  }
0x31: {  	_ = 	snop  }
0x32: {  	[tilespmem:s25], [sflag:$0x1] =	stream.indirect_vreg.gather [hbm4b:s5+s2], $0x80, v3, vm0, $0xb8;
	[tilespmem:$0x10100] =	vst v63  }
0x33: {  	_ = 	snop  }
0x34: {  	[tilespmem:s26], [sflag:$0x1] =	stream.indirect_vreg.gather [hbm4b:s6+s2], $0x80, v3, vm0, $0xb8;
	[tilespmem:$0x10100] =	vst v63  }
0x35: {  	v3 =	vld [tilespmem:$0x10010];
	_ =	sdelay $0x4  }
0x36: {  	v57 =	vshll.u32 v3, $0x3  }
0x37: {  	v3 =	vand.u32 $0x7, v3;
	v4 =	vand.u32 $0xFFFFFFC0, v57  }
0x38: {  	v3 =	vor.u32 v3, v4  }
0x39: {  	v4 =	vperm.xlane v3, v0;
	_ =	sdelay $0x1  }
0x3a: {  	v4 =	vadd.s32 v1, v4;
	_ =	sdelay $0x4  }
0x3b: {  	[tilespmem:s28], [sflag:$0x1] =	stream.indirect_vreg.gather [hbm4b:s3+s2], $0x80, v4, vm0, $0xb8;
	[tilespmem:$0x10100] =	vst v63  }
0x3c: {  	v3 =	vperm.xlane v3, v2  }
0x3d: {  	[tilespmem:s29], [sflag:$0x1] =	stream.indirect_vreg.gather [hbm4b:s4+s2], $0x80, v4, vm0, $0xb8;
	[tilespmem:$0x10100] =	vst v63  }
0x3e: {  	v3 =	vadd.s32 v1, v3  }
0x3f: {  	[tilespmem:s30], [sflag:$0x1] =	stream.indirect_vreg.gather [hbm4b:s5+s2], $0x80, v4, vm0, $0xb8;
	[tilespmem:$0x10100] =	vst v63  }
0x40: {  	_ = 	snop  }
0x41: {  	[tilespmem:s31], [sflag:$0x1] =	stream.indirect_vreg.gather [hbm4b:s6+s2], $0x80, v4, vm0, $0xb8;
	[tilespmem:$0x10100] =	vst v63  }
0x42: {  	_ = 	snop  }
0x43: {  	[tilespmem:s1], [sflag:$0x1] =	stream.indirect_vreg.gather [hbm4b:s3+s2], $0x80, v3, vm0, $0xb8;
	[tilespmem:$0x10100] =	vst v63  }
0x44: {  	s0 =	simm.s32 $0x6800  }
0x45: {  	[tilespmem:s0], [sflag:$0x1] =	stream.indirect_vreg.gather [hbm4b:s4+s2], $0x80, v3, vm0, $0xb8;
	[tilespmem:$0x10100] =	vst v63  }
0x46: {  	_ = 	snop  }
0x47: {  	[tilespmem:s9], [sflag:$0x1] =	stream.indirect_vreg.gather [hbm4b:s5+s2], $0x80, v3, vm0, $0xb8;
	[tilespmem:$0x10100] =	vst v63  }
0x48: {  	_ = 	snop  }
0x49: {  	[tilespmem:s10], [sflag:$0x1] =	stream.indirect_vreg.gather [hbm4b:s6+s2], $0x80, v3, vm0, $0xb8;
	[tilespmem:$0x10100] =	vst v63  }
0x4a: {  	v3 =	vld [tilespmem:$0x10020];
	_ =	sdelay $0x4  }
0x4b: {  	v58 =	vshll.u32 v3, $0x3  }
0x4c: {  	v3 =	vand.u32 $0x7, v3;
	v4 =	vand.u32 $0xFFFFFFC0, v58  }
0x4d: {  	v3 =	vor.u32 v3, v4  }
0x4e: {  	v4 =	vperm.xlane v3, v0;
	_ =	sdelay $0x1  }
0x4f: {  	v4 =	vadd.s32 v1, v4;
	_ =	sdelay $0x4  }
0x50: {  	[tilespmem:s16], [sflag:$0x2] =	stream.indirect_vreg.gather [hbm4b:s3+s2], $0x80, v4, vm0, $0xb8;
	[tilespmem:$0x10100] =	vst v63  }
0x51: {  	s12 =	simm.s32 $0x8800;
	v3 =	vperm.xlane v3, v2  }
0x52: {  	[tilespmem:s12], [sflag:$0x2] =	stream.indirect_vreg.gather [hbm4b:s4+s2], $0x80, v4, vm0, $0xb8;
	[tilespmem:$0x10100] =	vst v63  }
0x53: {  	v3 =	vadd.s32 v1, v3;
	s12 =	simm.s32 $0x9000  }
0x54: {  	[tilespmem:s12], [sflag:$0x2] =	stream.indirect_vreg.gather [hbm4b:s5+s2], $0x80, v4, vm0, $0xb8;
	[tilespmem:$0x10100] =	vst v63  }
0x55: {  	_ = 	snop  }
0x56: {  	[tilespmem:s13], [sflag:$0x2] =	stream.indirect_vreg.gather [hbm4b:s6+s2], $0x80, v4, vm0, $0xb8;
	[tilespmem:$0x10100] =	vst v63  }
0x57: {  	_ = 	snop  }
0x58: {  	[tilespmem:s14], [sflag:$0x2] =	stream.indirect_vreg.gather [hbm4b:s3+s2], $0x80, v3, vm0, $0xb8;
	[tilespmem:$0x10100] =	vst v63  }
0x59: {  	_ = 	snop  }
0x5a: {  	[tilespmem:s15], [sflag:$0x2] =	stream.indirect_vreg.gather [hbm4b:s4+s2], $0x80, v3, vm0, $0xb8;
	[tilespmem:$0x10100] =	vst v63  }
0x5b: {  	_ = 	snop  }
0x5c: {  	[tilespmem:s24], [sflag:$0x2] =	stream.indirect_vreg.gather [hbm4b:s5+s2], $0x80, v3, vm0, $0xb8;
	[tilespmem:$0x10100] =	vst v63  }
0x5d: {  	s18 =	simm.s32 $0xB800  }
0x5e: {  	[tilespmem:s18], [sflag:$0x2] =	stream.indirect_vreg.gather [hbm4b:s6+s2], $0x80, v3, vm0, $0xb8;
	[tilespmem:$0x10100] =	vst v63  }
0x5f: {  	v3 =	vld [tilespmem:$0x10030];
	_ =	sdelay $0x4  }
0x60: {  	v59 =	vshll.u32 v3, $0x3  }
0x61: {  	v3 =	vand.u32 $0x7, v3;
	v4 =	vand.u32 $0xFFFFFFC0, v59  }
0x62: {  	v3 =	vor.u32 v3, v4  }
0x63: {  	v4 =	vperm.xlane v3, v0;
	_ =	sdelay $0x1  }
0x64: {  	v4 =	vadd.s32 v1, v4;
	_ =	sdelay $0x3  }
0x65: {  	s18 =	simm.s32 $0xC000  }
0x66: {  	[tilespmem:s18], [sflag:$0x2] =	stream.indirect_vreg.gather [hbm4b:s3+s2], $0x80, v4, vm0, $0xb8;
	[tilespmem:$0x10100] =	vst v63  }
0x67: {  	v3 =	vperm.xlane v3, v2;
	s18 =	simm.s32 $0xC800  }
0x68: {  	[tilespmem:s18], [sflag:$0x2] =	stream.indirect_vreg.gather [hbm4b:s4+s2], $0x80, v4, vm0, $0xb8;
	[tilespmem:$0x10100] =	vst v63  }
0x69: {  	v3 =	vadd.s32 v1, v3;
	s18 =	simm.s32 $0xD000  }
0x6a: {  	[tilespmem:s18], [sflag:$0x2] =	stream.indirect_vreg.gather [hbm4b:s5+s2], $0x80, v4, vm0, $0xb8;
	[tilespmem:$0x10100] =	vst v63  }
0x6b: {  	s18 =	simm.s32 $0xD800  }
0x6c: {  	[tilespmem:s18], [sflag:$0x2] =	stream.indirect_vreg.gather [hbm4b:s6+s2], $0x80, v4, vm0, $0xb8;
	[tilespmem:$0x10100] =	vst v63  }
0x6d: {  	s18 =	simm.s32 $0xE000  }
0x6e: {  	[tilespmem:s18], [sflag:$0x2] =	stream.indirect_vreg.gather [hbm4b:s3+s2], $0x80, v3, vm0, $0xb8;
	[tilespmem:$0x10100] =	vst v63  }
0x6f: {  	s18 =	simm.s32 $0xE800  }
0x70: {  	[tilespmem:s18], [sflag:$0x2] =	stream.indirect_vreg.gather [hbm4b:s4+s2], $0x80, v3, vm0, $0xb8;
	[tilespmem:$0x10100] =	vst v63  }
0x71: {  	s18 =	simm.s32 $0xF000  }
0x72: {  	[tilespmem:s18], [sflag:$0x2] =	stream.indirect_vreg.gather [hbm4b:s5+s2], $0x80, v3, vm0, $0xb8;
	[tilespmem:$0x10100] =	vst v63  }
0x73: {  	s18 =	simm.s32 $0xF800  }
0x74: {  	[tilespmem:s18], [sflag:$0x2] =	stream.indirect_vreg.gather [hbm4b:s6+s2], $0x80, v3, vm0, $0xb8;
	[tilespmem:$0x10100] =	vst v63  }
0x75: {  	_ =	swait.ge [sflag:s11], $0x8000  }
0x76: {  	[sflag:s11] =	ssyncset.done $0x0  }
0x77: {  	s18 =	rddreg [dreg:$0x5];
	[sflag:s11] =	ssyncadd.s32 $0xFFFF8000  }
0x78: {  	[hbm4b:s18+s2] =	stream.linear.scatter [tilespmem:s2], [sflag:$0x3], $0x8000, $0x38;
	[tilespmem:$0x10100] =	vst v63  }
0x79: {  	_ =	swait.ge [sflag:s8], $0x8000  }
0x7a: {  	[sflag:s8] =	ssyncset.done $0x0  }
0x7b: {  	[sflag:s8] =	ssyncadd.s32 $0xFFFF8000  }
0x7c: {  	v3 =	vld [tilespmem:$0x10080];
	_ =	sdelay $0x4  }
0x7d: {  	v60 =	vshll.u32 v3, $0x3  }
0x7e: {  	v3 =	vand.u32 $0x7, v3;
	v4 =	vand.u32 $0xFFFFFFC0, v60  }
0x7f: {  	v3 =	vor.u32 v3, v4  }
0x80: {  	v4 =	vperm.xlane v3, v0;
	_ =	sdelay $0x1  }
0x81: {  	v4 =	vadd.s32 v1, v4;
	_ =	sdelay $0x4  }
0x82: {  	[tilespmem:s2], [sflag:$0x1] =	stream.indirect_vreg.gather [hbm4b:s3+s2], $0x80, v4, vm0, $0xb8;
	[tilespmem:$0x10100] =	vst v63  }
0x83: {  	v3 =	vperm.xlane v3, v2  }
0x84: {  	[tilespmem:s19], [sflag:$0x1] =	stream.indirect_vreg.gather [hbm4b:s4+s2], $0x80, v4, vm0, $0xb8;
	[tilespmem:$0x10100] =	vst v63  }
0x85: {  	v3 =	vadd.s32 v1, v3  }
0x86: {  	[tilespmem:s20], [sflag:$0x1] =	stream.indirect_vreg.gather [hbm4b:s5+s2], $0x80, v4, vm0, $0xb8;
	[tilespmem:$0x10100] =	vst v63  }
0x87: {  	_ = 	snop  }
0x88: {  	[tilespmem:s21], [sflag:$0x1] =	stream.indirect_vreg.gather [hbm4b:s6+s2], $0x80, v4, vm0, $0xb8;
	[tilespmem:$0x10100] =	vst v63  }
0x89: {  	_ = 	snop  }
0x8a: {  	[tilespmem:s22], [sflag:$0x1] =	stream.indirect_vreg.gather [hbm4b:s3+s2], $0x80, v3, vm0, $0xb8;
	[tilespmem:$0x10100] =	vst v63  }
0x8b: {  	_ = 	snop  }
0x8c: {  	[tilespmem:s23], [sflag:$0x1] =	stream.indirect_vreg.gather [hbm4b:s4+s2], $0x80, v3, vm0, $0xb8;
	[tilespmem:$0x10100] =	vst v63  }
0x8d: {  	_ = 	snop  }
0x8e: {  	[tilespmem:s25], [sflag:$0x1] =	stream.indirect_vreg.gather [hbm4b:s5+s2], $0x80, v3, vm0, $0xb8;
	[tilespmem:$0x10100] =	vst v63  }
0x8f: {  	_ = 	snop  }
0x90: {  	[tilespmem:s26], [sflag:$0x1] =	stream.indirect_vreg.gather [hbm4b:s6+s2], $0x80, v3, vm0, $0xb8;
	[tilespmem:$0x10100] =	vst v63  }
0x91: {  	v3 =	vld [tilespmem:$0x10090];
	_ =	sdelay $0x4  }
0x92: {  	v61 =	vshll.u32 v3, $0x3  }
0x93: {  	v3 =	vand.u32 $0x7, v3;
	v4 =	vand.u32 $0xFFFFFFC0, v61  }
0x94: {  	v3 =	vor.u32 v3, v4  }
0x95: {  	v4 =	vperm.xlane v3, v0;
	_ =	sdelay $0x1  }
0x96: {  	v4 =	vadd.s32 v1, v4;
	_ =	sdelay $0x4  }
0x97: {  	[tilespmem:s28], [sflag:$0x1] =	stream.indirect_vreg.gather [hbm4b:s3+s2], $0x80, v4, vm0, $0xb8;
	[tilespmem:$0x10100] =	vst v63  }
0x98: {  	v3 =	vperm.xlane v3, v2  }
0x99: {  	[tilespmem:s29], [sflag:$0x1] =	stream.indirect_vreg.gather [hbm4b:s4+s2], $0x80, v4, vm0, $0xb8;
	[tilespmem:$0x10100] =	vst v63  }
0x9a: {  	v3 =	vadd.s32 v1, v3  }
0x9b: {  	[tilespmem:s30], [sflag:$0x1] =	stream.indirect_vreg.gather [hbm4b:s5+s2], $0x80, v4, vm0, $0xb8;
	[tilespmem:$0x10100] =	vst v63  }
0x9c: {  	_ = 	snop  }
0x9d: {  	[tilespmem:s31], [sflag:$0x1] =	stream.indirect_vreg.gather [hbm4b:s6+s2], $0x80, v4, vm0, $0xb8;
	[tilespmem:$0x10100] =	vst v63  }
0x9e: {  	_ = 	snop  }
0x9f: {  	[tilespmem:s1], [sflag:$0x1] =	stream.indirect_vreg.gather [hbm4b:s3+s2], $0x80, v3, vm0, $0xb8;
	[tilespmem:$0x10100] =	vst v63  }
0xa0: {  	_ = 	snop  }
0xa1: {  	[tilespmem:s0], [sflag:$0x1] =	stream.indirect_vreg.gather [hbm4b:s4+s2], $0x80, v3, vm0, $0xb8;
	[tilespmem:$0x10100] =	vst v63  }
0xa2: {  	_ = 	snop  }
0xa3: {  	[tilespmem:s9], [sflag:$0x1] =	stream.indirect_vreg.gather [hbm4b:s5+s2], $0x80, v3, vm0, $0xb8;
	[tilespmem:$0x10100] =	vst v63  }
0xa4: {  	_ = 	snop  }
0xa5: {  	[tilespmem:s10], [sflag:$0x1] =	stream.indirect_vreg.gather [hbm4b:s6+s2], $0x80, v3, vm0, $0xb8;
	[tilespmem:$0x10100] =	vst v63  }
0xa6: {  	_ =	swait.ge [sflag:s17], $0x8000  }
0xa7: {  	[sflag:s17] =	ssyncset.done $0x0  }
0xa8: {  	s0 =	rddreg [dreg:$0x6];
	[sflag:s17] =	ssyncadd.s32 $0xFFFF8000  }
0xa9: {  	[hbm4b:s0+s2] =	stream.linear.scatter [tilespmem:s16], [sflag:$0x3], $0x8000, $0x38;
	[tilespmem:$0x10100] =	vst v63  }
0xaa: {  	_ =	swait.ge [sflag:s8], $0x8000  }
0xab: {  	[sflag:s8] =	ssyncset.done $0x0  }
0xac: {  	[sflag:s8] =	ssyncadd.s32 $0xFFFF8000  }
0xad: {  	v3 =	vld [tilespmem:$0x100A0];
	_ =	sdelay $0x4  }
0xae: {  	v62 =	vshll.u32 v3, $0x3  }
0xaf: {  	v3 =	vand.u32 $0x7, v3;
	v4 =	vand.u32 $0xFFFFFFC0, v62  }
0xb0: {  	v3 =	vor.u32 v3, v4  }
0xb1: {  	v4 =	vperm.xlane v3, v0;
	_ =	sdelay $0x1  }
0xb2: {  	v4 =	vadd.s32 v1, v4;
	_ =	sdelay $0x4  }
0xb3: {  	[tilespmem:s16], [sflag:$0x2] =	stream.indirect_vreg.gather [hbm4b:s3+s2], $0x80, v4, vm0, $0xb8;
	[tilespmem:$0x10100] =	vst v63  }
0xb4: {  	s19 =	simm.s32 $0x8800;
	v3 =	vperm.xlane v3, v2  }
0xb5: {  	[tilespmem:s19], [sflag:$0x2] =	stream.indirect_vreg.gather [hbm4b:s4+s2], $0x80, v4, vm0, $0xb8;
	[tilespmem:$0x10100] =	vst v63  }
0xb6: {  	v3 =	vadd.s32 v1, v3  }
0xb7: {  	[tilespmem:s12], [sflag:$0x2] =	stream.indirect_vreg.gather [hbm4b:s5+s2], $0x80, v4, vm0, $0xb8;
	[tilespmem:$0x10100] =	vst v63  }
0xb8: {  	_ = 	snop  }
0xb9: {  	[tilespmem:s13], [sflag:$0x2] =	stream.indirect_vreg.gather [hbm4b:s6+s2], $0x80, v4, vm0, $0xb8;
	[tilespmem:$0x10100] =	vst v63  }
0xba: {  	_ = 	snop  }
0xbb: {  	[tilespmem:s14], [sflag:$0x2] =	stream.indirect_vreg.gather [hbm4b:s3+s2], $0x80, v3, vm0, $0xb8;
	[tilespmem:$0x10100] =	vst v63  }
0xbc: {  	_ = 	snop  }
0xbd: {  	[tilespmem:s15], [sflag:$0x2] =	stream.indirect_vreg.gather [hbm4b:s4+s2], $0x80, v3, vm0, $0xb8;
	[tilespmem:$0x10100] =	vst v63  }
0xbe: {  	_ = 	snop  }
0xbf: {  	[tilespmem:s24], [sflag:$0x2] =	stream.indirect_vreg.gather [hbm4b:s5+s2], $0x80, v3, vm0, $0xb8;
	[tilespmem:$0x10100] =	vst v63  }
0xc0: {  	s12 =	simm.s32 $0xB800  }
0xc1: {  	[tilespmem:s12], [sflag:$0x2] =	stream.indirect_vreg.gather [hbm4b:s6+s2], $0x80, v3, vm0, $0xb8;
	[tilespmem:$0x10100] =	vst v63  }
0xc2: {  	v3 =	vld [tilespmem:$0x100B0];
	_ =	sdelay $0x4  }
0xc3: {  	v63 =	vshll.u32 v3, $0x3  }
0xc4: {  	v3 =	vand.u32 $0x7, v3;
	v4 =	vand.u32 $0xFFFFFFC0, v63  }
0xc5: {  	v3 =	vor.u32 v3, v4  }
0xc6: {  	v4 =	vperm.xlane v3, v0;
	_ =	sdelay $0x1  }
0xc7: {  	v4 =	vadd.s32 v1, v4;
	_ =	sdelay $0x3  }
0xc8: {  	s18 =	simm.s32 $0xC000  }
0xc9: {  	[tilespmem:s18], [sflag:$0x2] =	stream.indirect_vreg.gather [hbm4b:s3+s2], $0x80, v4, vm0, $0xb8;
	[tilespmem:$0x10100] =	vst v63  }
0xca: {  	s19 =	simm.s32 $0xC800;
	v3 =	vperm.xlane v3, v2  }
0xcb: {  	[tilespmem:s19], [sflag:$0x2] =	stream.indirect_vreg.gather [hbm4b:s4+s2], $0x80, v4, vm0, $0xb8;
	[tilespmem:$0x10100] =	vst v63  }
0xcc: {  	s12 =	simm.s32 $0xD000;
	v3 =	vadd.s32 v1, v3  }
0xcd: {  	[tilespmem:s12], [sflag:$0x2] =	stream.indirect_vreg.gather [hbm4b:s5+s2], $0x80, v4, vm0, $0xb8;
	[tilespmem:$0x10100] =	vst v63  }
0xce: {  	s18 =	simm.s32 $0xD800  }
0xcf: {  	[tilespmem:s18], [sflag:$0x2] =	stream.indirect_vreg.gather [hbm4b:s6+s2], $0x80, v4, vm0, $0xb8;
	[tilespmem:$0x10100] =	vst v63  }
0xd0: {  	s19 =	simm.s32 $0xE000  }
0xd1: {  	[tilespmem:s19], [sflag:$0x2] =	stream.indirect_vreg.gather [hbm4b:s3+s2], $0x80, v3, vm0, $0xb8;
	[tilespmem:$0x10100] =	vst v63  }
0xd2: {  	s12 =	simm.s32 $0xE800  }
0xd3: {  	[tilespmem:s12], [sflag:$0x2] =	stream.indirect_vreg.gather [hbm4b:s4+s2], $0x80, v3, vm0, $0xb8;
	[tilespmem:$0x10100] =	vst v63  }
0xd4: {  	s18 =	simm.s32 $0xF000  }
0xd5: {  	[tilespmem:s18], [sflag:$0x2] =	stream.indirect_vreg.gather [hbm4b:s5+s2], $0x80, v3, vm0, $0xb8;
	[tilespmem:$0x10100] =	vst v63  }
0xd6: {  	s19 =	simm.s32 $0xF800  }
0xd7: {  	[tilespmem:s19], [sflag:$0x2] =	stream.indirect_vreg.gather [hbm4b:s6+s2], $0x80, v3, vm0, $0xb8;
	[tilespmem:$0x10100] =	vst v63  }
0xd8: {  	_ =	swait.ge [sflag:s11], $0x8000  }
0xd9: {  	[sflag:s11] =	ssyncset.done $0x0  }
0xda: {  	s12 =	rddreg [dreg:$0x7];
	[sflag:s11] =	ssyncadd.s32 $0xFFFF8000  }
0xdb: {  	[hbm4b:s12+s2] =	stream.linear.scatter [tilespmem:s2], [sflag:$0x3], $0x8000, $0x38;
	[tilespmem:$0x10100] =	vst v63  }
0xdc: {  	_ =	swait.ge [sflag:s8], $0x8000  }
0xdd: {  	[sflag:s8] =	ssyncset.done $0x0  }
0xde: {  	[sflag:s8] =	ssyncadd.s32 $0xFFFF8000  }
0xdf: {  	_ =	swait.ge [sflag:s17], $0x8000  }
0xe0: {  	p0 =	sne.s32 s7, $0x1;
	[sflag:s17] =	ssyncset.done $0x0  }
.Ltmp0:
0xe1: {  	s19 =	rddreg [dreg:$0x8];
	[sflag:s17] =	ssyncadd.s32 $0xFFFF8000;
	(pc) =	sbr.rel @p0 .LBB2_1-.Ltmp0, $4  }
0xe2: {  	[hbm4b:s19+s2] =	stream.linear.scatter [tilespmem:s16], [sflag:$0x3], $0x8000, $0x38;
	[tilespmem:$0x10100] =	vst v63  }
0xe3: {  	_ =	swait.ge [sflag:s8], $0x8000  }
0xe4: {  	[sflag:s8] =	ssyncset.done $0x0  }
0xe5: {  	s7 =	sadd.s32 $0xFFFFFFFF, s7;
	[sflag:s8] =	ssyncadd.s32 $0xFFFF8000  }
0xe6: {  	_ =	sfence.sel $0x180000  }
0xe7: {  	[bflag:$0x0] =	sbarrier.arrive $0xFFFF  }
0xe8: {  	_ =	strace $0x9000004A  }
0xe9: {  	s0 =	stileid.u32;
	[bflag:$0x2] =	sbarrier.arrive $0xFFFF  }
0xea: {  	p0 =	sne.s32 s0, $0x0;
	s0 =	rddreg [dreg:$0x2]  }
0xeb: {  	s0 =	sadd.s32 @!p0 $0x100000, s0  }
0xec: {  	[sflag:s0] =	ssyncadd.tile.s32 @!p0 $0x1;
	_ =	shalt  }
.Lfunc_end2:
_tile_overlayer_lowered:
.L_overlay_start_2:
0xed: {  	(tag) =	ssettag $0x2  }
0xee: {  	s0 =	rddreg [dreg:$0x0];
	s2 =	stileid.u32  }
0xef: {  	s1 =	rddreg [dreg:$0x1];
	p0 =	sne.s32 s2, $0x0  }
0xf0: {  	s3 =	rddreg [dreg:$0x2];
	[bflag:$0x3] =	sbarrier.arrive $0xFFFF;
	s2 =	simm.s32 @!p0 $0x1C03  }
0xf1: {  	[timem:s3], [sflag:s2] =	dma.local @!p0 [hbm:s0], s1  }
0xf2: {  	s0 =	simm.s32 @!p0 $0x3  }
0xf3: {  	_ =	swait.ge @!p0 [sflag:s0], s1  }
0xf4: {  	s1 =	ssub.s32 @!p0 $0x0, s1;
	[sflag:s0] =	ssyncset.done @!p0 $0x0  }
0xf5: {  	[sflag:s0] =	ssyncadd.s32 @!p0 s1  }
0xf6: {  	[bflag:$0x3] =	sbarrier.arrive $0xFFFF  }
0xf7: {  	_ =	shalt  }

// kernel: kernel.7.cloned.1.call-start
scs
__scs_entry_jumppad:
0x0: {  	(pc) =	sbr.rel $0x88, $3  }
0x1: {  	(tag) =	ssettag $0x0;
	lr =	simm.s32 $0x1  }
0x2: {  	[smem:$0x3F98] =	sst lr;
	_ =	strace $0xD0000000  }
0x3: {  	_ = 	snop  }
0x4: {  	_ = 	snop  }
0x5: {  	_ = 	snop  }
0x6: {  	_ = 	snop  }
0x7: {  	_ = 	snop  }
__scs_overlays_trampoline_lowered:
0x8: {  	[smem:$0x3FA7] =	sst s0  }
0x9: {  	[smem:$0x3FA8] =	sst s1  }
0xa: {  	[smem:$0x3FA9] =	sst s2  }
0xb: {  	[smem:$0x3FAA] =	sst s3  }
0xc: {  	[smem:$0x3FAB] =	sst s4  }
0xd: {  	[smem:$0x3FAC] =	sst s5  }
0xe: {  	[smem:$0x3FAD] =	sst s6  }
0xf: {  	[smem:$0x3FAE] =	sst s7  }
0x10: {  	[smem:$0x3FAF] =	sst s8  }
0x11: {  	[smem:$0x3FB0] =	sst s9;
	s0 =	simm.s32 @!p0 $0x0  }
0x12: {  	s1 =	sld [smem:$0x3F96];
	s0 =	simm.s32 @p0 $0x1  }
0x13: {  	[smem:$0x3FB1] =	sst s0;
	s0 =	simm.s32 @!p1 $0x0  }
0x14: {  	s2 =	sld [smem:$0x3F95];
	s0 =	simm.s32 @p1 $0x1  }
0x15: {  	[smem:$0x3FB2] =	sst s0;
	s0 =	simm.s32 @!p2 $0x0  }
0x16: {  	s3 =	sld [smem:$0x3FDB];
	s0 =	simm.s32 @p2 $0x1  }
0x17: {  	s4 =	simm.s32 $0x1BF5;
	[smem:$0x3FB4] =	sst s0  }
0x18: {  	s0 =	sld [smem:$0x3F97];
	_ =	swait.ge [sflag:s4], $0x0  }
0x19: {  	s7 =	sld [smem:$0x3F98]  }
0x1a: {  	s8 =	sadd.s32 $0xFFFFE003, lr  }
0x1b: {  	s9 =	sadd.s32 $0xFFFFFEF7, lr;
	s5 =	simm.s32 $0xFFFFFFFF;
	p2 =	slt.u32 s8, $0xFFFFF086  }
0x1c: {  	p1 =	slt.u32 s9, $0xF7A;
	s5 =	simm.s32 @!p2 $0x0  }
0x1d: {  	s5 =	simm.s32 @p1 $0x1;
	p0 =	seq.s32 s7, s2  }
0x1e: {  	s7 =	smul.u32 @!p0 $0xF7A, s2;
	p2 =	seq.s32 @!p0 s5, $0x0  }
0x1f: {  	s9 =	smul.u32 $0xF7A, s1;
	s8 =	simm.s32 @!p0 $0x1BF5;
	p2 =	por !p2, p0  }
0x20: {  	[sflag:s8] =	ssyncset.s32 @!p0 $0xFFFFF086;
	s6 =	sadd.s32 @!p0 s3, s7;
	s7 =	simm.s32 @!p0 $0x108  }
0x21: {  	s3 =	sadd.s32 s3, s9;
	s6 =	sadd.s32 @!p0 $0x88, s6;
	s7 =	simm.s32 @p2 $0x1082  }
0x22: {  	[simem:s7], [sflag:s8] =	dma.local @!p0 [hbm:s6], $0xF7A  }
0x23: {  	s9 =	sor.u32 $0xD0000000, s2;
	s6 =	simm.s32 $0x108;
	_ =	swait.ge @!p0 [sflag:s8], $0x0  }
0x24: {  	s3 =	sadd.s32 $0x88, s3;
	s6 =	simm.s32 @!p1 $0x1082;
	[sflag:s4] =	ssyncset.s32 $0xFFFFF086  }
0x25: {  	[simem:s6], [sflag:s4] =	dma.local [hbm:s3], $0xF7A  }
0x26: {  	[smem:$0x3F98] =	sst s1;
	(tag) =	ssettag s2;
	_ =	strace s9  }
0x27: {  	s1 =	sld [smem:$0x3FA8]  }
0x28: {  	s2 =	sld [smem:$0x3FA9]  }
0x29: {  	s4 =	sld [smem:$0x3FAB]  }
0x2a: {  	p0 =	seq.s32 s5, $0x0;
	s5 =	sld [smem:$0x3FAC]  }
0x2b: {  	s6 =	sld [smem:$0x3FAD]  }
0x2c: {  	s7 =	sld [smem:$0x3FAE]  }
0x2d: {  	s3 =	simm.s32 $0x108;
	s8 =	sld [smem:$0x3FAF]  }
0x2e: {  	s3 =	simm.s32 @!p0 $0x1082;
	s9 =	sld [smem:$0x3FB0]  }
0x2f: {  	lr =	sadd.s32 s0, s3;
	s0 =	sld [smem:$0x3FA7]  }
0x30: {  	s3 =	sld [smem:$0x3FAA]  }
0x31: {  	[smem:$0x3FB3] =	sst s10  }
0x32: {  	s10 =	sld [smem:$0x3FB1];
	_ =	sdelay $0x3  }
0x33: {  	p0 =	seq.s32 s10, $0x1;
	s10 =	sld [smem:$0x3FB3];
	_ =	sdelay $0x3  }
0x34: {  	[smem:$0x3FB3] =	sst s10  }
0x35: {  	s10 =	sld [smem:$0x3FB2];
	_ =	sdelay $0x3  }
0x36: {  	p1 =	seq.s32 s10, $0x1;
	s10 =	sld [smem:$0x3FB3];
	_ =	sdelay $0x3  }
0x37: {  	[smem:$0x3FB3] =	sst s10  }
0x38: {  	s10 =	sld [smem:$0x3FB4]  }
0x39: {  	_ = 	snop;
	(pc) =	sbr.ind lr, $3  }
0x3a: {  	_ = 	snop  }
0x3b: {  	_ = 	snop  }
0x3c: {  	p2 =	seq.s32 s10, $0x1;
	s10 =	sld [smem:$0x3FB3]  }
0x3d: {  	_ =	shalt  }
0x3e: {  	_ =	shalt  }
0x3f: {  	_ =	shalt  }
0x40: {  	_ =	shalt  }
0x41: {  	_ =	shalt  }
0x42: {  	_ =	shalt  }
0x43: {  	_ =	shalt  }
0x44: {  	_ =	shalt  }
0x45: {  	_ =	shalt  }
0x46: {  	_ =	shalt  }
0x47: {  	_ =	shalt  }
0x48: {  	_ =	shalt  }
0x49: {  	_ =	shalt  }
0x4a: {  	_ =	shalt  }
0x4b: {  	_ =	shalt  }
0x4c: {  	_ =	shalt  }
0x4d: {  	_ =	shalt  }
0x4e: {  	_ =	shalt  }
0x4f: {  	_ =	shalt  }
0x50: {  	_ =	shalt  }
0x51: {  	_ =	shalt  }
0x52: {  	_ =	shalt  }
0x53: {  	_ =	shalt  }
0x54: {  	_ =	shalt  }
0x55: {  	_ =	shalt  }
0x56: {  	_ =	shalt  }
0x57: {  	_ =	shalt  }
0x58: {  	_ =	shalt  }
0x59: {  	_ =	shalt  }
0x5a: {  	_ =	shalt  }
0x5b: {  	_ =	shalt  }
0x5c: {  	_ =	shalt  }
0x5d: {  	_ =	shalt  }
0x5e: {  	_ =	shalt  }
0x5f: {  	_ =	shalt  }
0x60: {  	_ =	shalt  }
0x61: {  	_ =	shalt  }
0x62: {  	_ =	shalt  }
0x63: {  	_ =	shalt  }
0x64: {  	_ =	shalt  }
0x65: {  	_ =	shalt  }
0x66: {  	_ =	shalt  }
0x67: {  	_ =	shalt  }
0x68: {  	_ =	shalt  }
0x69: {  	_ =	shalt  }
0x6a: {  	_ =	shalt  }
0x6b: {  	_ =	shalt  }
0x6c: {  	_ =	shalt  }
0x6d: {  	_ =	shalt  }
0x6e: {  	_ =	shalt  }
0x6f: {  	_ =	shalt  }
0x70: {  	_ =	shalt  }
0x71: {  	_ =	shalt  }
0x72: {  	_ =	shalt  }
0x73: {  	_ =	shalt  }
0x74: {  	_ =	shalt  }
0x75: {  	_ =	shalt  }
0x76: {  	_ =	shalt  }
0x77: {  	_ =	shalt  }
0x78: {  	_ =	shalt  }
0x79: {  	_ =	shalt  }
0x7a: {  	_ =	shalt  }
0x7b: {  	_ =	shalt  }
0x7c: {  	_ =	shalt  }
0x7d: {  	_ =	shalt  }
0x7e: {  	_ =	shalt  }
0x7f: {  	_ =	shalt  }
0x80: {  	_ =	shalt  }
0x81: {  	_ =	shalt  }
0x82: {  	_ =	shalt  }
0x83: {  	_ =	shalt  }
0x84: {  	_ =	shalt  }
0x85: {  	_ =	shalt  }
0x86: {  	_ =	shalt  }
0x87: {  	_ =	shalt  }
.Lfunc_end0:
.L_simem_size_0:
called_computation_lowered:
.L_overlay_start_0:
0x88: {  	s2 =	sld [smem:$0x3FD9]  }
0x89: {  	s3 =	sld [smem:$0x3FFE];
	_ =	sdelay $0x1  }
0x8a: {  	s1 =	srdreg.scid  }
0x8b: {  	s0 =	sand.u32 $0x1, s1  }
0x8c: {  	s17 =	sshll.u32 s0, $0xA;
	s2 =	sadd.s32 s3, s2  }
0x8d: {  	s2 =	sadd.s32 s2, s17  }
0x8e: {  	[smem:$0x3FBF] =	sst s2  }
0x8f: {  	_ = 	snop  }
0x90: {  	s2 =	sld [smem:$0x3FC9];
	(tm) =	ssettm $0x1  }
0x91: {  	s18 =	sld [smem:$0x3FFB];
	_ =	sdelay $0x3  }
0x92: {  	_ =	strace s18  }
0x93: {  	s3 =	sld [smem:$0x3FFC];
	_ =	sdelay $0x3  }
0x94: {  	_ =	strace s3  }
0x95: {  	s3 =	sld [smem:$0x3FFD];
	_ =	sdelay $0x3  }
0x96: {  	_ =	strace s3  }
0x97: {  	_ =	strace $0x8FFFFFFF  }
0x98: {  	s19 =	sld [smem:$0x3FDB];
	_ =	sdelay $0x1  }
0x99: {  	s4 =	simm.s32 $_scs_section_size  }
0x9a: {  	s5 =	simm.s32 $_size__tile_overlayer_lowered;
	s6 =	simm.s32 $_tile_overlayer_lowered  }
0x9b: {  	s22 =	simm.s32 $0x1BFF;
	s21 =	sshll.u32 s6, $0x1;
	s3 =	sadd.s32 s4, s19  }
0x9c: {  	s7 =	simm.s32 $0x0;
	s20 =	sshll.u32 s5, $0x1;
	s5 =	sadd.s32 s21, s3  }
0x9d: {  	[timem:s7], [sflag:s22] =	dma.local [hbm:s5], s20  }
0x9e: {  	_ =	swait.ge [sflag:s22], s20  }
0x9f: {  	s4 =	ssub.s32 $0x0, s20;
	[sflag:s22] =	ssyncset.done $0x0  }
0xa0: {  	[sflag:s22] =	ssyncadd.s32 s4;
	_ =	sdelay $0x1  }
0xa1: {  	s23 =	simm.s32 $0x1B8B  }
0xa2: {  	_ =	swait.ge [sflag:s23], $0x1  }
0xa3: {  	[sflag:s23] =	ssyncset.done $0x0  }
0xa4: {  	s25 =	simm.s32 $0x1B8E;
	s24 =	sld [smem:$0x3FFE];
	[sflag:s23] =	ssyncadd.s32 $0xFFFFFFFF  }
0xa5: {  	s26 =	simm.s32 $execute0_lowered;
	[smem:$0x3FD2] =	sst s25  }
0xa6: {  	s5 =	sshll.u32 s26, $0x1;
	_ =	strace $0x80000046;
	[dreg:$0x1] =	wrdreg $0xFFFFFFFF  }
0xa7: {  	s28 =	simm.s32 $_size_execute0_lowered;
	s3 =	sadd.s32 s3, s5;
	[dreg:$0x0] =	wrdreg $0x0  }
0xa8: {  	s5 =	sshll.u32 s28, $0x1;
	[dreg:$0x2] =	wrdreg s3  }
0xa9: {  	[dreg:$0x3] =	wrdreg s5  }
0xaa: {  	[dreg:$0x4] =	wrdreg $0xC0  }
0xab: {  	_ =	task [dreg:s7], $0x5FFFF  }
0xac: {  	[dreg:$0x1] =	wrdreg $0xFFFFFFFF  }
0xad: {  	[dreg:$0x0] =	wrdreg $0x60  }
0xae: {  	[dreg:$0x2] =	wrdreg s2  }
0xaf: {  	[dreg:$0x3] =	wrdreg s24  }
0xb0: {  	[dreg:$0x4] =	wrdreg $0x9  }
0xb1: {  	_ =	task.clear_ibuf [dreg:s7], $0x5FFFF;
	_ =	strace $0x90000046  }
0xb2: {  	s29 =	simm.s32 $0x9;
	_ =	strace $0x80000048  }
0xb3: {  	_ =	swait.ge [sflag:s29], $0x1  }
0xb4: {  	[sflag:s29] =	ssyncadd.s32 $0xFFFFFFFF  }
0xb5: {  	_ =	strace $0x90000048  }
0xb6: {  	_ =	sfence  }
0xb7: {  	s30 =	sld [smem:$0x0];
	_ =	sdelay $0x2  }
0xb8: {  	s31 =	sshll.u32 s1, $0xD;
	s1 =	sshrl.u32 s1, $0x2  }
0xb9: {  	s3 =	sand.u32 $0x4000, s31;
	s1 =	sadd.s32 s1, s30  }
0xba: {  	s0 =	sor.u32 s3, s0;
	s1 =	sshll.u32 s1, $0x11  }
0xbb: {  	s0 =	sor.u32 s1, s0  }
0xbc: {  	s0 =	sadd.s32 $0x8F2B, s0  }
0xbd: {  	[sflag:s0] =	ssyncadd.remote.s32 $0x1  }
0xbe: {  	_ =	sfence.sel $0xFFFF  }
0xbf: {  	[dreg:$0x0] =	wrdreg $0xFFFFFFFF;
	(pc) =	sbr.abs _section_cstart, $3  }
0xc0: {  	[dreg:$0x1] =	wrdreg $0xFFFFFFFF  }
0xc1: {  	_ =	task.clear_ibuf [dreg:s7], $0x2FFFF;
	_ =	strace $0x9FFFFFFF  }
0xc2: {  	(tm) =	ssettm $0x7FFFFFFF  }
0xc3: {  	_ =	shalt  }
tec
execute0_lowered:
.L_overlay_start_1:
0x0: {  	(tag) =	ssettag $0x1  }
0x1: {  	s0 =	rddreg [dreg:$0x0]  }
0x2: {  	s1 =	rddreg [dreg:$0x1];
	s3 =	srdreg.scid  }
0x3: {  	s2 =	simm.s32 $0x0;
	s4 =	stileid.u32;
	s25 =	simm.s32 $0x10100  }
0x4: {  	s9 =	simm.s32 $0x3;
	s26 =	simm.s32 $0x10180;
	s28 =	simm.s32 $0x2800  }
0x5: {  	s29 =	simm.s32 $0x3000;
	s30 =	simm.s32 $0x3800;
	s31 =	simm.s32 $0x4000  }
0x6: {  	s10 =	simm.s32 $0x5800;
	s11 =	simm.s32 $0x6000;
	s13 =	simm.s32 $0x6800  }
0x7: {  	s14 =	simm.s32 $0x7000;
	s12 =	simm.s32 $0xB000;
	s8 =	simm.s32 $0xC000  }
0x8: {  	s3 =	sand.u32 $0x1, s3;
	[smem:$0x7FF] =	sst s2;
	s15 =	sadd.s32 $0x18E00, s1  }
0x9: {  	s4 =	sshll.u32 s4, $0x7;
	_ =	strace $0x80000047;
	[dreg:$0x3] =	wrdreg s15  }
0xa: {  	s5 =	sshll.u32 s3, $0x6;
	s21 =	ssub.s32 $0x2, s3;
	[dreg:$0xb] =	wrdreg s25  }
0xb: {  	s3 =	sadd.s32 $0x29400, s1;
	[dreg:$0xc] =	wrdreg s26;
	s26 =	simm.s32 $0x2000  }
0xc: {  	s15 =	simm.s32 $0x7800;
	s4 =	sor.u32 s5, s4;
	s23 =	sshrl.u32 s21, $0x1  }
0xd: {  	s5 =	sadd.s32 $0x29600, s1;
	s6 =	sshrl.u32 s4, $0x3;
	s4 =	sshll.u32 s4, $0x7  }
0xe: {  	s7 =	ssub.s32 s21, s23;
	s16 =	sadd.s32 s6, s1;
	s0 =	sadd.s32 s0, s4  }
0xf: {  	s21 =	simm.s32 $0xA800;
	[dreg:$0x4] =	wrdreg s0;
	s17 =	sadd.s32 $0x29000, s16  }
0x10: {  	s4 =	sadd.s32 $0x29500, s1;
	s18 =	sadd.s32 $0xC00, s16;
	[dreg:$0x5] =	wrdreg s17  }
0x11: {  	s6 =	sadd.s32 $0x29700, s1;
	s19 =	sadd.s32 $0x29200, s16;
	[dreg:$0x6] =	wrdreg s18  }
0x12: {  	s7 =	smax.u32 s7, $0x1;
	s20 =	sadd.s32 $0xE00, s16;
	[dreg:$0x7] =	wrdreg s19  }
0x13: {  	s1 =	simm.s32 $0x5000;
	s22 =	sadd.s32 $0x1000, s16;
	[dreg:$0x8] =	wrdreg s20  }
0x14: {  	v2 =	vlaneseq.u32;
	s24 =	sadd.s32 $0x1200, s16;
	s16 =	simm.s32 $0x8000;
	[dreg:$0x9] =	wrdreg s22  }
0x15: {  	vm0 =	vmmov $0xffff;
	v1 =	vshrl.u32 v2, $0x3;
	[dreg:$0xa] =	wrdreg s24;
	s17 =	simm.s32 $0x8800;
	s18 =	simm.s32 $0x9000  }
0x16: {  	v0 =	vand.u32 $0x7, v2;
	v2 =	vor.u32 $0x8, v2;
	v1 =	vmul.u32 $0x8, v1;
	s19 =	simm.s32 $0x9800;
	s20 =	simm.s32 $0xA000;
	s22 =	simm.s32 $0xB800  }
.LBB2_1:
0x17: {  	s23 =	rddreg [dreg:$0x4]  }
0x18: {  	[tilespmem:s2], [sflag:$0x2] =	stream.linear.gather [hbm4b:s23+s2], $0x10000, $0x38;
	[tilespmem:$0x10280] =	vst v63  }
0x19: {  	s24 =	rddreg [dreg:$0x3];
	s0 =	simm.s32 $0x10200  }
0x1a: {  	[tilespmem:s0], [sflag:$0x3] =	stream.linear.gather [hbm4b:s24+s2], $0x8, $0x38;
	[tilespmem:$0x10280] =	vst v63  }
0x1b: {  	_ =	swait.ge [sflag:s9], $0x8  }
0x1c: {  	[sflag:s9] =	ssyncset.done $0x0  }
0x1d: {  	s24 =	simm.s32 $0x10000;
	s25 =	rddreg [dreg:$0x5];
	[sflag:s9] =	ssyncadd.s32 $0xFFFFFFF8  }
0x1e: {  	[tilespmem:s24], [sflag:$0x3] =	stream.linear.gather [hbm4b:s25+s2], $0x40, $0x38;
	[tilespmem:$0x10280] =	vst v63  }
0x1f: {  	_ =	swait.ge [sflag:s9], $0x40  }
0x20: {  	[sflag:s9] =	ssyncset.done $0x0  }
0x21: {  	s25 =	simm.s32 $0x10080;
	s23 =	rddreg [dreg:$0x6];
	[sflag:s9] =	ssyncadd.s32 $0xFFFFFFC0  }
0x22: {  	[tilespmem:s25], [sflag:$0x3] =	stream.linear.gather [hbm4b:s23+s2], $0x40, $0x38;
	[tilespmem:$0x10280] =	vst v63  }
0x23: {  	_ =	swait.ge [sflag:s9], $0x40  }
0x24: {  	[sflag:s9] =	ssyncset.done $0x0  }
0x25: {  	[sflag:s9] =	ssyncadd.s32 $0xFFFFFFC0  }
0x26: {  	v3 =	vld [tilespmem:$0x10000];
	_ =	sdelay $0x5  }
0x27: {  	v4 =	vld [tilespmem:$0x10080]  }
0x28: {  	v5 =	vld [tilespmem:$0x10010]  }
0x29: {  	v3 =	vld.idx.msk [tilespmem:v3+s0+$0x0], $0xffff;
	_ =	sdelay $0x4  }
0x2a: {  	v48 =	vld [tilespmem:$0x10090];
	v3 =	vadd.s32 v4, v3  }
0x2b: {  	[tilespmem:$0x10100] =	vst v3;
	v3 =	vld [tilespmem:$0x10020]  }
0x2c: {  	v5 =	vld.idx.msk [tilespmem:v5+s0+$0x0], $0xffff;
	_ =	sdelay $0x4  }
0x2d: {  	v49 =	vld [tilespmem:$0x100A0];
	v4 =	vadd.s32 v48, v5  }
0x2e: {  	v50 =	vld [tilespmem:$0x10030];
	[tilespmem:$0x10110] =	vst v4  }
0x2f: {  	v3 =	vld.idx.msk [tilespmem:v3+s0+$0x0], $0xffff;
	_ =	sdelay $0x4  }
0x30: {  	v3 =	vadd.s32 v49, v3  }
0x31: {  	[tilespmem:$0x10120] =	vst v3;
	v3 =	vld [tilespmem:$0x100B0]  }
0x32: {  	v4 =	vld.idx.msk [tilespmem:v50+s0+$0x0], $0xffff;
	_ =	sdelay $0x4  }
0x33: {  	v3 =	vadd.s32 v3, v4  }
0x34: {  	s23 =	rddreg [dreg:$0x7];
	[tilespmem:$0x10130] =	vst v3  }
0x35: {  	[tilespmem:s24], [sflag:$0x3] =	stream.linear.gather [hbm4b:s23+s2], $0x40, $0x38;
	[tilespmem:$0x10280] =	vst v63  }
0x36: {  	_ =	swait.ge [sflag:s9], $0x40  }
0x37: {  	[sflag:s9] =	ssyncset.done $0x0  }
0x38: {  	s24 =	rddreg [dreg:$0x8];
	[sflag:s9] =	ssyncadd.s32 $0xFFFFFFC0  }
0x39: {  	[tilespmem:s25], [sflag:$0x3] =	stream.linear.gather [hbm4b:s24+s2], $0x40, $0x38;
	[tilespmem:$0x10280] =	vst v63  }
0x3a: {  	_ =	swait.ge [sflag:s9], $0x40  }
0x3b: {  	[sflag:s9] =	ssyncset.done $0x0  }
0x3c: {  	[sflag:s9] =	ssyncadd.s32 $0xFFFFFFC0  }
0x3d: {  	v3 =	vld [tilespmem:$0x10000];
	_ =	sdelay $0x5  }
0x3e: {  	v51 =	vld [tilespmem:$0x10080]  }
0x3f: {  	v52 =	vld [tilespmem:$0x10010]  }
0x40: {  	v3 =	vld.idx.msk [tilespmem:v3+s0+$0x0], $0xffff;
	_ =	sdelay $0x4  }
0x41: {  	v53 =	vld [tilespmem:$0x10090];
	v3 =	vadd.s32 v51, v3  }
0x42: {  	[tilespmem:$0x10180] =	vst v3;
	v3 =	vld [tilespmem:$0x10020]  }
0x43: {  	v5 =	vld.idx.msk [tilespmem:v52+s0+$0x0], $0xffff;
	_ =	sdelay $0x4  }
0x44: {  	v54 =	vld [tilespmem:$0x100A0];
	v4 =	vadd.s32 v53, v5  }
0x45: {  	v55 =	vld [tilespmem:$0x10030];
	[tilespmem:$0x10190] =	vst v4  }
0x46: {  	v3 =	vld.idx.msk [tilespmem:v3+s0+$0x0], $0xffff;
	_ =	sdelay $0x4  }
0x47: {  	v3 =	vadd.s32 v54, v3  }
0x48: {  	[tilespmem:$0x101A0] =	vst v3;
	v3 =	vld [tilespmem:$0x100B0]  }
0x49: {  	v4 =	vld.idx.msk [tilespmem:v55+s0+$0x0], $0xffff;
	_ =	sdelay $0x4  }
0x4a: {  	s25 =	rddreg [dreg:$0x9];
	v3 =	vadd.s32 v3, v4  }
0x4b: {  	s0 =	rddreg [dreg:$0xb];
	[tilespmem:$0x101B0] =	vst v3  }
0x4c: {  	[hbm4b:s25+s2] =	stream.linear.scatter [tilespmem:s0], [sflag:$0x3], $0x40, $0x38;
	[tilespmem:$0x10280] =	vst v63  }
0x4d: {  	_ =	swait.ge [sflag:s9], $0x40  }
0x4e: {  	s25 =	rddreg [dreg:$0xa];
	[sflag:s9] =	ssyncset.done $0x0  }
0x4f: {  	s0 =	rddreg [dreg:$0xc];
	[sflag:s9] =	ssyncadd.s32 $0xFFFFFFC0  }
0x50: {  	[hbm4b:s25+s2] =	stream.linear.scatter [tilespmem:s0], [sflag:$0x3], $0x40, $0x38;
	[tilespmem:$0x10280] =	vst v63  }
0x51: {  	_ =	swait.ge [sflag:s9], $0x40  }
0x52: {  	[sflag:s9] =	ssyncset.done $0x0  }
0x53: {  	s25 =	simm.s32 $0x2;
	[sflag:s9] =	ssyncadd.s32 $0xFFFFFFC0  }
0x54: {  	_ =	swait.ge [sflag:s25], $0x10000  }
0x55: {  	[sflag:s25] =	ssyncset.done $0x0  }
0x56: {  	[sflag:s25] =	ssyncadd.s32 $0xFFFF0000  }
0x57: {  	v3 =	vld [tilespmem:$0x10100];
	_ =	sdelay $0x4  }
0x58: {  	v56 =	vshll.u32 v3, $0x3  }
0x59: {  	v3 =	vand.u32 $0x7, v3;
	v4 =	vand.u32 $0xFFFFFFC0, v56  }
0x5a: {  	v3 =	vor.u32 v3, v4  }
0x5b: {  	v4 =	vperm.xlane v3, v0;
	_ =	sdelay $0x1  }
0x5c: {  	v4 =	vadd.s32 v1, v4;
	_ =	sdelay $0x4  }
0x5d: {  	[hbm4b:s3+s2] =	stream.indirect_vreg.scatter [tilespmem:s2], [sflag:$0x1], $0x80, v4, vm0, $0xb8;
	[tilespmem:$0x10280] =	vst v63  }
0x5e: {  	s23 =	simm.s32 $0x800;
	v3 =	vperm.xlane v3, v2  }
0x5f: {  	[hbm4b:s4+s2] =	stream.indirect_vreg.scatter [tilespmem:s23], [sflag:$0x1], $0x80, v4, vm0, $0xb8;
	[tilespmem:$0x10280] =	vst v63  }
0x60: {  	s24 =	simm.s32 $0x1000;
	v3 =	vadd.s32 v1, v3  }
0x61: {  	[hbm4b:s5+s2] =	stream.indirect_vreg.scatter [tilespmem:s24], [sflag:$0x1], $0x80, v4, vm0, $0xb8;
	[tilespmem:$0x10280] =	vst v63  }
0x62: {  	s25 =	simm.s32 $0x1800  }
0x63: {  	[hbm4b:s6+s2] =	stream.indirect_vreg.scatter [tilespmem:s25], [sflag:$0x1], $0x80, v4, vm0, $0xb8;
	[tilespmem:$0x10280] =	vst v63  }
0x64: {  	_ = 	snop  }
0x65: {  	[hbm4b:s3+s2] =	stream.indirect_vreg.scatter [tilespmem:s26], [sflag:$0x1], $0x80, v3, vm0, $0xb8;
	[tilespmem:$0x10280] =	vst v63  }
0x66: {  	_ = 	snop  }
0x67: {  	[hbm4b:s4+s2] =	stream.indirect_vreg.scatter [tilespmem:s28], [sflag:$0x1], $0x80, v3, vm0, $0xb8;
	[tilespmem:$0x10280] =	vst v63  }
0x68: {  	_ = 	snop  }
0x69: {  	[hbm4b:s5+s2] =	stream.indirect_vreg.scatter [tilespmem:s29], [sflag:$0x1], $0x80, v3, vm0, $0xb8;
	[tilespmem:$0x10280] =	vst v63  }
0x6a: {  	_ = 	snop  }
0x6b: {  	[hbm4b:s6+s2] =	stream.indirect_vreg.scatter [tilespmem:s30], [sflag:$0x1], $0x80, v3, vm0, $0xb8;
	[tilespmem:$0x10280] =	vst v63  }
0x6c: {  	v3 =	vld [tilespmem:$0x10110];
	_ =	sdelay $0x4  }
0x6d: {  	v57 =	vshll.u32 v3, $0x3  }
0x6e: {  	v3 =	vand.u32 $0x7, v3;
	v4 =	vand.u32 $0xFFFFFFC0, v57  }
0x6f: {  	v3 =	vor.u32 v3, v4  }
0x70: {  	v4 =	vperm.xlane v3, v0;
	_ =	sdelay $0x1  }
0x71: {  	v4 =	vadd.s32 v1, v4;
	_ =	sdelay $0x4  }
0x72: {  	[hbm4b:s3+s2] =	stream.indirect_vreg.scatter [tilespmem:s31], [sflag:$0x1], $0x80, v4, vm0, $0xb8;
	[tilespmem:$0x10280] =	vst v63  }
0x73: {  	s0 =	simm.s32 $0x4800;
	v3 =	vperm.xlane v3, v2  }
0x74: {  	[hbm4b:s4+s2] =	stream.indirect_vreg.scatter [tilespmem:s0], [sflag:$0x1], $0x80, v4, vm0, $0xb8;
	[tilespmem:$0x10280] =	vst v63  }
0x75: {  	v3 =	vadd.s32 v1, v3  }
0x76: {  	[hbm4b:s5+s2] =	stream.indirect_vreg.scatter [tilespmem:s1], [sflag:$0x1], $0x80, v4, vm0, $0xb8;
	[tilespmem:$0x10280] =	vst v63  }
0x77: {  	_ = 	snop  }
0x78: {  	[hbm4b:s6+s2] =	stream.indirect_vreg.scatter [tilespmem:s10], [sflag:$0x1], $0x80, v4, vm0, $0xb8;
	[tilespmem:$0x10280] =	vst v63  }
0x79: {  	_ = 	snop  }
0x7a: {  	[hbm4b:s3+s2] =	stream.indirect_vreg.scatter [tilespmem:s11], [sflag:$0x1], $0x80, v3, vm0, $0xb8;
	[tilespmem:$0x10280] =	vst v63  }
0x7b: {  	_ = 	snop  }
0x7c: {  	[hbm4b:s4+s2] =	stream.indirect_vreg.scatter [tilespmem:s13], [sflag:$0x1], $0x80, v3, vm0, $0xb8;
	[tilespmem:$0x10280] =	vst v63  }
0x7d: {  	_ = 	snop  }
0x7e: {  	[hbm4b:s5+s2] =	stream.indirect_vreg.scatter [tilespmem:s14], [sflag:$0x1], $0x80, v3, vm0, $0xb8;
	[tilespmem:$0x10280] =	vst v63  }
0x7f: {  	_ = 	snop  }
0x80: {  	[hbm4b:s6+s2] =	stream.indirect_vreg.scatter [tilespmem:s15], [sflag:$0x1], $0x80, v3, vm0, $0xb8;
	[tilespmem:$0x10280] =	vst v63  }
0x81: {  	v3 =	vld [tilespmem:$0x10120];
	_ =	sdelay $0x4  }
0x82: {  	v58 =	vshll.u32 v3, $0x3  }
0x83: {  	v3 =	vand.u32 $0x7, v3;
	v4 =	vand.u32 $0xFFFFFFC0, v58  }
0x84: {  	v3 =	vor.u32 v3, v4  }
0x85: {  	v4 =	vperm.xlane v3, v0;
	_ =	sdelay $0x1  }
0x86: {  	v4 =	vadd.s32 v1, v4;
	_ =	sdelay $0x4  }
0x87: {  	[hbm4b:s3+s2] =	stream.indirect_vreg.scatter [tilespmem:s16], [sflag:$0x1], $0x80, v4, vm0, $0xb8;
	[tilespmem:$0x10280] =	vst v63  }
0x88: {  	v3 =	vperm.xlane v3, v2  }
0x89: {  	[hbm4b:s4+s2] =	stream.indirect_vreg.scatter [tilespmem:s17], [sflag:$0x1], $0x80, v4, vm0, $0xb8;
	[tilespmem:$0x10280] =	vst v63  }
0x8a: {  	v3 =	vadd.s32 v1, v3  }
0x8b: {  	[hbm4b:s5+s2] =	stream.indirect_vreg.scatter [tilespmem:s18], [sflag:$0x1], $0x80, v4, vm0, $0xb8;
	[tilespmem:$0x10280] =	vst v63  }
0x8c: {  	_ = 	snop  }
0x8d: {  	[hbm4b:s6+s2] =	stream.indirect_vreg.scatter [tilespmem:s19], [sflag:$0x1], $0x80, v4, vm0, $0xb8;
	[tilespmem:$0x10280] =	vst v63  }
0x8e: {  	_ = 	snop  }
0x8f: {  	[hbm4b:s3+s2] =	stream.indirect_vreg.scatter [tilespmem:s20], [sflag:$0x1], $0x80, v3, vm0, $0xb8;
	[tilespmem:$0x10280] =	vst v63  }
0x90: {  	_ = 	snop  }
0x91: {  	[hbm4b:s4+s2] =	stream.indirect_vreg.scatter [tilespmem:s21], [sflag:$0x1], $0x80, v3, vm0, $0xb8;
	[tilespmem:$0x10280] =	vst v63  }
0x92: {  	_ = 	snop  }
0x93: {  	[hbm4b:s5+s2] =	stream.indirect_vreg.scatter [tilespmem:s12], [sflag:$0x1], $0x80, v3, vm0, $0xb8;
	[tilespmem:$0x10280] =	vst v63  }
0x94: {  	_ = 	snop  }
0x95: {  	[hbm4b:s6+s2] =	stream.indirect_vreg.scatter [tilespmem:s22], [sflag:$0x1], $0x80, v3, vm0, $0xb8;
	[tilespmem:$0x10280] =	vst v63  }
0x96: {  	v3 =	vld [tilespmem:$0x10130];
	_ =	sdelay $0x4  }
0x97: {  	v59 =	vshll.u32 v3, $0x3  }
0x98: {  	v3 =	vand.u32 $0x7, v3;
	v4 =	vand.u32 $0xFFFFFFC0, v59  }
0x99: {  	v3 =	vor.u32 v3, v4  }
0x9a: {  	v4 =	vperm.xlane v3, v0;
	_ =	sdelay $0x1  }
0x9b: {  	v4 =	vadd.s32 v1, v4;
	_ =	sdelay $0x4  }
0x9c: {  	[hbm4b:s3+s2] =	stream.indirect_vreg.scatter [tilespmem:s8], [sflag:$0x1], $0x80, v4, vm0, $0xb8;
	[tilespmem:$0x10280] =	vst v63  }
0x9d: {  	s0 =	simm.s32 $0xC800;
	v3 =	vperm.xlane v3, v2  }
0x9e: {  	[hbm4b:s4+s2] =	stream.indirect_vreg.scatter [tilespmem:s0], [sflag:$0x1], $0x80, v4, vm0, $0xb8;
	[tilespmem:$0x10280] =	vst v63  }
0x9f: {  	v3 =	vadd.s32 v1, v3;
	s0 =	simm.s32 $0xD000  }
0xa0: {  	[hbm4b:s5+s2] =	stream.indirect_vreg.scatter [tilespmem:s0], [sflag:$0x1], $0x80, v4, vm0, $0xb8;
	[tilespmem:$0x10280] =	vst v63  }
0xa1: {  	s0 =	simm.s32 $0xD800  }
0xa2: {  	[hbm4b:s6+s2] =	stream.indirect_vreg.scatter [tilespmem:s0], [sflag:$0x1], $0x80, v4, vm0, $0xb8;
	[tilespmem:$0x10280] =	vst v63  }
0xa3: {  	s0 =	simm.s32 $0xE000  }
0xa4: {  	[hbm4b:s3+s2] =	stream.indirect_vreg.scatter [tilespmem:s0], [sflag:$0x1], $0x80, v3, vm0, $0xb8;
	[tilespmem:$0x10280] =	vst v63  }
0xa5: {  	s0 =	simm.s32 $0xE800  }
0xa6: {  	[hbm4b:s4+s2] =	stream.indirect_vreg.scatter [tilespmem:s0], [sflag:$0x1], $0x80, v3, vm0, $0xb8;
	[tilespmem:$0x10280] =	vst v63  }
0xa7: {  	s0 =	simm.s32 $0xF000  }
0xa8: {  	[hbm4b:s5+s2] =	stream.indirect_vreg.scatter [tilespmem:s0], [sflag:$0x1], $0x80, v3, vm0, $0xb8;
	[tilespmem:$0x10280] =	vst v63  }
0xa9: {  	s0 =	simm.s32 $0xF800  }
0xaa: {  	[hbm4b:s6+s2] =	stream.indirect_vreg.scatter [tilespmem:s0], [sflag:$0x1], $0x80, v3, vm0, $0xb8;
	[tilespmem:$0x10280] =	vst v63  }
0xab: {  	v3 =	vld [tilespmem:$0x10180];
	_ =	sdelay $0x4  }
0xac: {  	v60 =	vshll.u32 v3, $0x3  }
0xad: {  	v3 =	vand.u32 $0x7, v3;
	v4 =	vand.u32 $0xFFFFFFC0, v60  }
0xae: {  	v3 =	vor.u32 v3, v4  }
0xaf: {  	v4 =	vperm.xlane v3, v0;
	_ =	sdelay $0x1  }
0xb0: {  	v4 =	vadd.s32 v1, v4;
	_ =	sdelay $0x4  }
0xb1: {  	[hbm4b:s3+s2] =	stream.indirect_vreg.scatter [tilespmem:s2], [sflag:$0x1], $0x80, v4, vm0, $0xb8;
	[tilespmem:$0x10280] =	vst v63  }
0xb2: {  	v3 =	vperm.xlane v3, v2  }
0xb3: {  	[hbm4b:s4+s2] =	stream.indirect_vreg.scatter [tilespmem:s23], [sflag:$0x1], $0x80, v4, vm0, $0xb8;
	[tilespmem:$0x10280] =	vst v63  }
0xb4: {  	v3 =	vadd.s32 v1, v3  }
0xb5: {  	[hbm4b:s5+s2] =	stream.indirect_vreg.scatter [tilespmem:s24], [sflag:$0x1], $0x80, v4, vm0, $0xb8;
	[tilespmem:$0x10280] =	vst v63  }
0xb6: {  	_ = 	snop  }
0xb7: {  	[hbm4b:s6+s2] =	stream.indirect_vreg.scatter [tilespmem:s25], [sflag:$0x1], $0x80, v4, vm0, $0xb8;
	[tilespmem:$0x10280] =	vst v63  }
0xb8: {  	_ = 	snop  }
0xb9: {  	[hbm4b:s3+s2] =	stream.indirect_vreg.scatter [tilespmem:s26], [sflag:$0x1], $0x80, v3, vm0, $0xb8;
	[tilespmem:$0x10280] =	vst v63  }
0xba: {  	_ = 	snop  }
0xbb: {  	[hbm4b:s4+s2] =	stream.indirect_vreg.scatter [tilespmem:s28], [sflag:$0x1], $0x80, v3, vm0, $0xb8;
	[tilespmem:$0x10280] =	vst v63  }
0xbc: {  	_ = 	snop  }
0xbd: {  	[hbm4b:s5+s2] =	stream.indirect_vreg.scatter [tilespmem:s29], [sflag:$0x1], $0x80, v3, vm0, $0xb8;
	[tilespmem:$0x10280] =	vst v63  }
0xbe: {  	_ = 	snop  }
0xbf: {  	[hbm4b:s6+s2] =	stream.indirect_vreg.scatter [tilespmem:s30], [sflag:$0x1], $0x80, v3, vm0, $0xb8;
	[tilespmem:$0x10280] =	vst v63  }
0xc0: {  	v3 =	vld [tilespmem:$0x10190];
	_ =	sdelay $0x4  }
0xc1: {  	v61 =	vshll.u32 v3, $0x3  }
0xc2: {  	v3 =	vand.u32 $0x7, v3;
	v4 =	vand.u32 $0xFFFFFFC0, v61  }
0xc3: {  	v3 =	vor.u32 v3, v4  }
0xc4: {  	v4 =	vperm.xlane v3, v0;
	_ =	sdelay $0x1  }
0xc5: {  	v4 =	vadd.s32 v1, v4;
	_ =	sdelay $0x4  }
0xc6: {  	[hbm4b:s3+s2] =	stream.indirect_vreg.scatter [tilespmem:s31], [sflag:$0x1], $0x80, v4, vm0, $0xb8;
	[tilespmem:$0x10280] =	vst v63  }
0xc7: {  	s23 =	simm.s32 $0x4800;
	v3 =	vperm.xlane v3, v2  }
0xc8: {  	[hbm4b:s4+s2] =	stream.indirect_vreg.scatter [tilespmem:s23], [sflag:$0x1], $0x80, v4, vm0, $0xb8;
	[tilespmem:$0x10280] =	vst v63  }
0xc9: {  	v3 =	vadd.s32 v1, v3  }
0xca: {  	[hbm4b:s5+s2] =	stream.indirect_vreg.scatter [tilespmem:s1], [sflag:$0x1], $0x80, v4, vm0, $0xb8;
	[tilespmem:$0x10280] =	vst v63  }
0xcb: {  	_ = 	snop  }
0xcc: {  	[hbm4b:s6+s2] =	stream.indirect_vreg.scatter [tilespmem:s10], [sflag:$0x1], $0x80, v4, vm0, $0xb8;
	[tilespmem:$0x10280] =	vst v63  }
0xcd: {  	_ = 	snop  }
0xce: {  	[hbm4b:s3+s2] =	stream.indirect_vreg.scatter [tilespmem:s11], [sflag:$0x1], $0x80, v3, vm0, $0xb8;
	[tilespmem:$0x10280] =	vst v63  }
0xcf: {  	_ = 	snop  }
0xd0: {  	[hbm4b:s4+s2] =	stream.indirect_vreg.scatter [tilespmem:s13], [sflag:$0x1], $0x80, v3, vm0, $0xb8;
	[tilespmem:$0x10280] =	vst v63  }
0xd1: {  	_ = 	snop  }
0xd2: {  	[hbm4b:s5+s2] =	stream.indirect_vreg.scatter [tilespmem:s14], [sflag:$0x1], $0x80, v3, vm0, $0xb8;
	[tilespmem:$0x10280] =	vst v63  }
0xd3: {  	_ = 	snop  }
0xd4: {  	[hbm4b:s6+s2] =	stream.indirect_vreg.scatter [tilespmem:s15], [sflag:$0x1], $0x80, v3, vm0, $0xb8;
	[tilespmem:$0x10280] =	vst v63  }
0xd5: {  	v3 =	vld [tilespmem:$0x101A0];
	_ =	sdelay $0x4  }
0xd6: {  	v62 =	vshll.u32 v3, $0x3  }
0xd7: {  	v3 =	vand.u32 $0x7, v3;
	v4 =	vand.u32 $0xFFFFFFC0, v62  }
0xd8: {  	v3 =	vor.u32 v3, v4  }
0xd9: {  	v4 =	vperm.xlane v3, v0;
	_ =	sdelay $0x1  }
0xda: {  	v4 =	vadd.s32 v1, v4;
	_ =	sdelay $0x4  }
0xdb: {  	[hbm4b:s3+s2] =	stream.indirect_vreg.scatter [tilespmem:s16], [sflag:$0x1], $0x80, v4, vm0, $0xb8;
	[tilespmem:$0x10280] =	vst v63  }
0xdc: {  	v3 =	vperm.xlane v3, v2  }
0xdd: {  	[hbm4b:s4+s2] =	stream.indirect_vreg.scatter [tilespmem:s17], [sflag:$0x1], $0x80, v4, vm0, $0xb8;
	[tilespmem:$0x10280] =	vst v63  }
0xde: {  	v3 =	vadd.s32 v1, v3  }
0xdf: {  	[hbm4b:s5+s2] =	stream.indirect_vreg.scatter [tilespmem:s18], [sflag:$0x1], $0x80, v4, vm0, $0xb8;
	[tilespmem:$0x10280] =	vst v63  }
0xe0: {  	_ = 	snop  }
0xe1: {  	[hbm4b:s6+s2] =	stream.indirect_vreg.scatter [tilespmem:s19], [sflag:$0x1], $0x80, v4, vm0, $0xb8;
	[tilespmem:$0x10280] =	vst v63  }
0xe2: {  	_ = 	snop  }
0xe3: {  	[hbm4b:s3+s2] =	stream.indirect_vreg.scatter [tilespmem:s20], [sflag:$0x1], $0x80, v3, vm0, $0xb8;
	[tilespmem:$0x10280] =	vst v63  }
0xe4: {  	_ = 	snop  }
0xe5: {  	[hbm4b:s4+s2] =	stream.indirect_vreg.scatter [tilespmem:s21], [sflag:$0x1], $0x80, v3, vm0, $0xb8;
	[tilespmem:$0x10280] =	vst v63  }
0xe6: {  	_ = 	snop  }
0xe7: {  	[hbm4b:s5+s2] =	stream.indirect_vreg.scatter [tilespmem:s12], [sflag:$0x1], $0x80, v3, vm0, $0xb8;
	[tilespmem:$0x10280] =	vst v63  }
0xe8: {  	_ = 	snop  }
0xe9: {  	[hbm4b:s6+s2] =	stream.indirect_vreg.scatter [tilespmem:s22], [sflag:$0x1], $0x80, v3, vm0, $0xb8;
	[tilespmem:$0x10280] =	vst v63  }
0xea: {  	v3 =	vld [tilespmem:$0x101B0];
	_ =	sdelay $0x4  }
0xeb: {  	v63 =	vshll.u32 v3, $0x3  }
0xec: {  	v3 =	vand.u32 $0x7, v3;
	v4 =	vand.u32 $0xFFFFFFC0, v63  }
0xed: {  	v3 =	vor.u32 v3, v4  }
0xee: {  	v4 =	vperm.xlane v3, v0;
	_ =	sdelay $0x1  }
0xef: {  	v4 =	vadd.s32 v1, v4;
	_ =	sdelay $0x4  }
0xf0: {  	[hbm4b:s3+s2] =	stream.indirect_vreg.scatter [tilespmem:s8], [sflag:$0x1], $0x80, v4, vm0, $0xb8;
	[tilespmem:$0x10280] =	vst v63  }
0xf1: {  	s24 =	simm.s32 $0xC800;
	v3 =	vperm.xlane v3, v2  }
0xf2: {  	[hbm4b:s4+s2] =	stream.indirect_vreg.scatter [tilespmem:s24], [sflag:$0x1], $0x80, v4, vm0, $0xb8;
	[tilespmem:$0x10280] =	vst v63  }
0xf3: {  	s25 =	simm.s32 $0xD000;
	v3 =	vadd.s32 v1, v3  }
0xf4: {  	[hbm4b:s5+s2] =	stream.indirect_vreg.scatter [tilespmem:s25], [sflag:$0x1], $0x80, v4, vm0, $0xb8;
	[tilespmem:$0x10280] =	vst v63  }
0xf5: {  	s23 =	simm.s32 $0xD800  }
0xf6: {  	[hbm4b:s6+s2] =	stream.indirect_vreg.scatter [tilespmem:s23], [sflag:$0x1], $0x80, v4, vm0, $0xb8;
	[tilespmem:$0x10280] =	vst v63  }
0xf7: {  	s24 =	simm.s32 $0xE000  }
0xf8: {  	[hbm4b:s3+s2] =	stream.indirect_vreg.scatter [tilespmem:s24], [sflag:$0x1], $0x80, v3, vm0, $0xb8;
	[tilespmem:$0x10280] =	vst v63  }
0xf9: {  	s25 =	simm.s32 $0xE800  }
0xfa: {  	[hbm4b:s4+s2] =	stream.indirect_vreg.scatter [tilespmem:s25], [sflag:$0x1], $0x80, v3, vm0, $0xb8;
	[tilespmem:$0x10280] =	vst v63  }
0xfb: {  	s23 =	simm.s32 $0xF000  }
0xfc: {  	[hbm4b:s5+s2] =	stream.indirect_vreg.scatter [tilespmem:s23], [sflag:$0x1], $0x80, v3, vm0, $0xb8;
	[tilespmem:$0x10280] =	vst v63  }
0xfd: {  	s24 =	simm.s32 $0xF800;
	s25 =	simm.s32 $0x1  }
0xfe: {  	[hbm4b:s6+s2] =	stream.indirect_vreg.scatter [tilespmem:s24], [sflag:$0x1], $0x80, v3, vm0, $0xb8;
	[tilespmem:$0x10280] =	vst v63  }
0xff: {  	p0 =	sne.s32 s7, $0x1;
	_ =	swait.ge [sflag:s25], $0x10000  }
.Ltmp0:
0x100: {  	[sflag:s25] =	ssyncset.done $0x0;
	(pc) =	sbr.rel @p0 .LBB2_1-.Ltmp0, $4  }
0x101: {  	[sflag:s25] =	ssyncadd.s32 $0xFFFF0000  }
0x102: {  	_ =	swait.ge [sflag:s25], $0x10000  }
0x103: {  	[sflag:s25] =	ssyncset.done $0x0  }
0x104: {  	s7 =	sadd.s32 $0xFFFFFFFF, s7;
	[sflag:s25] =	ssyncadd.s32 $0xFFFF0000  }
0x105: {  	_ =	sfence.sel $0x180000  }
0x106: {  	[bflag:$0x0] =	sbarrier.arrive $0xFFFF  }
0x107: {  	_ =	strace $0x90000047  }
0x108: {  	s0 =	stileid.u32;
	[bflag:$0x2] =	sbarrier.arrive $0xFFFF  }
0x109: {  	p0 =	sne.s32 s0, $0x0;
	s0 =	rddreg [dreg:$0x2]  }
0x10a: {  	s0 =	sadd.s32 @!p0 $0x100000, s0  }
0x10b: {  	[sflag:s0] =	ssyncadd.tile.s32 @!p0 $0x1;
	_ =	shalt  }
.Lfunc_end2:
_tile_overlayer_lowered:
.L_overlay_start_2:
0x10c: {  	(tag) =	ssettag $0x2  }
0x10d: {  	s0 =	rddreg [dreg:$0x0];
	s2 =	stileid.u32  }
0x10e: {  	s1 =	rddreg [dreg:$0x1];
	p0 =	sne.s32 s2, $0x0  }
0x10f: {  	s3 =	rddreg [dreg:$0x2];
	[bflag:$0x3] =	sbarrier.arrive $0xFFFF;
	s2 =	simm.s32 @!p0 $0x1C03  }
0x110: {  	[timem:s3], [sflag:s2] =	dma.local @!p0 [hbm:s0], s1  }
0x111: {  	s0 =	simm.s32 @!p0 $0x3  }
0x112: {  	_ =	swait.ge @!p0 [sflag:s0], s1  }
0x113: {  	s1 =	ssub.s32 @!p0 $0x0, s1;
	[sflag:s0] =	ssyncset.done @!p0 $0x0  }
0x114: {  	[sflag:s0] =	ssyncadd.s32 @!p0 s1  }
0x115: {  	[bflag:$0x3] =	sbarrier.arrive $0xFFFF  }
0x116: {  	_ =	shalt  }

</sc_bundles>
